<compile_context>
chip_gen: v7x
topology: tpu7x:2x2x1
jax: 0.10.2.dev20260603
libtpu: 0.0.44.dev20260713+nightly
codegen_flags: <defaults>
</compile_context>

<pallas_src>
import jax
import jax.numpy as jnp
from jax import lax
from jax.experimental import pallas as pl
from jax.experimental.pallas import tpu as pltpu
from jax.experimental.pallas import tpu_sc as plsc

B = 16384
N_REF = 4
LANES = 16

_NC = 2
_NS = 16
NW = _NC * _NS
ROWS = B // NW
GROUPS = ROWS // LANES
UNROLL = 1


def _sqrt16(x):
    i = plsc.bitcast(x, jnp.int32)
    i = jnp.int32(0x5F3759DF) - (i >> 1)
    y = plsc.bitcast(i, jnp.float32)
    y = y * (1.5 - 0.5 * x * y * y)
    return x * y


def _body(big_hbm, out_hbm, big_v, out_v):
    wid = lax.axis_index("s") * _NC + lax.axis_index("c")
    base = wid * ROWS
    pltpu.sync_copy(big_hbm.at[:, pl.ds(base, ROWS)], big_v)

    def wvec(k):
        f = big_v[9, pl.ds(128 + k * LANES, LANES)]
        return plsc.bitcast(f, jnp.float32)

    w00, w01, w10, w11 = wvec(0), wvec(1), wvec(2), wvec(3)
    c9 = jnp.full((LANES,), 9, jnp.int32)

    def one_group(o):
        pg0 = plsc.bitcast(big_v[5, pl.ds(o, LANES)], jnp.float32)
        pg1 = plsc.bitcast(big_v[6, pl.ds(o, LANES)], jnp.float32)
        kg0 = plsc.bitcast(big_v[7, pl.ds(o, LANES)], jnp.float32)
        kg1 = plsc.bitcast(big_v[8, pl.ds(o, LANES)], jnp.float32)
        z = []
        for s in range(5):
            idx2 = big_v[s, pl.ds(o, LANES)] * 2
            z0d0 = plsc.bitcast(
                plsc.load_gather(big_v, [c9, idx2]), jnp.float32)
            z0d1 = plsc.bitcast(
                plsc.load_gather(big_v, [c9, idx2 + 1]), jnp.float32)
            z1d0 = plsc.bitcast(
                plsc.load_gather(big_v, [c9, idx2 + 64]), jnp.float32)
            z1d1 = plsc.bitcast(
                plsc.load_gather(big_v, [c9, idx2 + 65]), jnp.float32)
            z.append((pg0 * z0d0 + pg1 * z1d0, pg0 * z0d1 + pg1 * z1d1))
        sv = []
        for r in range(1, 5):
            dd0 = z[0][0] - z[r][0]
            dd1 = z[0][1] - z[r][1]
            q0 = dd0 * dd0
            q1 = dd1 * dd1
            d0 = _sqrt16(w00 * q0 + w01 * q1 + 1e-12)
            d1 = _sqrt16(w10 * q0 + w11 * q1 + 1e-12)
            s0 = jnp.exp(-10.0 * d0)
            s1 = jnp.exp(-10.0 * d1)
            sv.append(kg0 * s0 + kg1 * s1)
        inv = 1.0 / (sv[0] + sv[1] + sv[2] + sv[3])
        for r in range(N_REF):
            out_v[r, pl.ds(o, LANES)] = sv[r] * inv

    def group(g, carry):
        for u in range(UNROLL):
            one_group((g * UNROLL + u) * LANES)
        return carry

    lax.fori_loop(0, GROUPS // UNROLL, group, 0)
    pltpu.sync_copy(out_v, out_hbm.at[:, pl.ds(base, ROWS)])


_sc_call = pl.kernel(
    _body,
    out_type=jax.ShapeDtypeStruct((N_REF, B), jnp.float32),
    mesh=plsc.VectorSubcoreMesh(core_axis_name="c", subcore_axis_name="s"),
    compiler_params=pltpu.CompilerParams(
        needs_layout_passes=False, use_tc_tiling_on_sc=False),
    scratch_types=[
        pltpu.VMEM((10, ROWS), jnp.int32),
        pltpu.VMEM((N_REF, ROWS), jnp.float32),
    ],
)


def kernel(stimulus_set, percept_gate, kernel_gate, table0, table1, w0, w1):
    pad2 = jnp.zeros((2,), jnp.float32)
    tbl = jnp.concatenate([
        table0.reshape(-1), pad2,
        table1.reshape(-1), pad2,
        jnp.broadcast_to(w0[:, None], (2, LANES)).reshape(-1),
        jnp.broadcast_to(w1[:, None], (2, LANES)).reshape(-1),
        jnp.zeros((ROWS - 192,), jnp.float32),
    ])
    tbl_row = jnp.tile(lax.bitcast_convert_type(tbl, jnp.int32), NW)
    big = jnp.concatenate([
        stimulus_set.T.astype(jnp.int32),
        lax.bitcast_convert_type(percept_gate.T, jnp.int32),
        lax.bitcast_convert_type(kernel_gate.T, jnp.int32),
        tbl_row[None, :],
    ], axis=0)
    out_t = _sc_call(big)
    return out_t.T

# --- scband reference (transcript-rebuilt; emitter-appended) ---
"""Pipeline reference for scband-rank-model-c-19250043421194 (READ-ONLY COPY).

The authoritative reference and input builder live on the scoring server;
editing this copy changes nothing except your own understanding.
"""

import jax, jax.numpy as jnp
import numpy as np

B = 16384
N_STIM = 30
N_DIM = 2

def setup_inputs(seed: int = 0) -> dict:
    key = jax.random.key(seed)
    k1, k2, k3, k4, k5 = jax.random.split(key, 5)
    # stimulus indices: 1 query + 4 references; avoid 0 (mask index)
    stimulus_set = jax.random.randint(k1, (B, 5), 1, N_STIM + 1)
    # gate weights: convex mixture weights over the 2 subnets
    pg = jax.random.uniform(k2, (B, 2), dtype=jnp.float32)
    percept_gate = pg / jnp.sum(pg, axis=-1, keepdims=True)
    kg = jax.random.uniform(k3, (B, 2), dtype=jnp.float32)
    kernel_gate = kg / jnp.sum(kg, axis=-1, keepdims=True)
    # learned embedding tables (keras Embedding default uniform init ~ U(-0.05,0.05))
    table0 = (jax.random.uniform(k4, (N_STIM + 1, N_DIM), dtype=jnp.float32) - 0.5) * 0.1
    table1 = (jax.random.uniform(k5, (N_STIM + 1, N_DIM), dtype=jnp.float32) - 0.5) * 0.1
    # Minkowski per-dimension weights (as initialized in __init__)
    w0 = jnp.array([1.2, 0.8], dtype=jnp.float32)
    w1 = jnp.array([0.7, 1.3], dtype=jnp.float32)
    return {
        'stimulus_set': stimulus_set,
        'percept_gate': percept_gate,
        'kernel_gate': kernel_gate,
        'table0': table0,
        'table1': table1,
        'w0': w0,
        'w1': w1,
    }


def reference(stimulus_set, percept_gate, kernel_gate, table0, table1, w0, w1):
    rho = 2.0
    beta = 10.0
    tau = 1.0
    gamma = 0.0
    # BraidGate over percept embeddings: weighted blend of two embedding lookups
    z0 = jnp.take(table0, stimulus_set, axis=0)   # [B, 5, 2]
    z1 = jnp.take(table1, stimulus_set, axis=0)   # [B, 5, 2]
    z = percept_gate[:, 0, None, None] * z0 + percept_gate[:, 1, None, None] * z1
    # split query / references along stimuli axis (axis=1)
    z_q = z[:, :1, :]   # [B, 1, 2]
    z_r = z[:, 1:, :]   # [B, 4, 2]
    diff = jnp.abs(z_q - z_r)  # [B, 4, 2]
    # Minkowski distance (rho=2) with per-subnet weights; eps for sqrt stability
    d0 = jnp.power(jnp.sum(w0 * jnp.power(diff, rho), axis=-1) + 1e-12, 1.0 / rho)  # [B, 4]
    d1 = jnp.power(jnp.sum(w1 * jnp.power(diff, rho), axis=-1) + 1e-12, 1.0 / rho)
    # ExponentialSimilarity: exp(-beta * d^tau) + gamma (shared across subnets)
    s0 = jnp.exp(-beta * jnp.power(d0, tau)) + gamma
    s1 = jnp.exp(-beta * jnp.power(d1, tau)) + gamma
    # BraidGate over kernels
    s = kernel_gate[:, 0, None] * s0 + kernel_gate[:, 1, None] * s1  # [B, 4]
    # SoftRank with n_select=1: Luce choice probabilities over 4 references
    p = s / jnp.sum(s, axis=-1, keepdims=True)
    return p

if __name__ == "__main__":
    import jax
    _d = setup_inputs()
    print(jax.jit(kernel)(*tuple(_d.values())))

</pallas_src>

<mosaic_0001>
#map = affine_map<(d0, d1) -> (0, 0)>
module attributes {stable_mosaic.version = 14 : i64} {
  func.func @_body(%arg0: i32, %arg1: i32, %arg2: memref<10x16384xi32, #tpu.memory_space<hbm>>, %arg3: memref<4x16384xf32, #tpu.memory_space<hbm>>, %arg4: memref<10x512xi32, #tpu.memory_space<vmem>>, %arg5: memref<4x512xf32, #tpu.memory_space<vmem>>) attributes {dimension_semantics = [#tpu.dimension_semantics<core_parallel>, #tpu.dimension_semantics<subcore_parallel>], iteration_bounds = array<i64: 2, 16>, scalar_prefetch = 0 : i64, scratch_operands = 2 : i64, tpu.core_type = #tpu.core_type<sc_vector_subcore>, window_params = [{transform_indices = #map}, {transform_indices = #map}]} {
    %mul3A = arith.constant 2 : i32
    %mul3A_0 = arith.muli %arg1, %mul3A : i32
    %add3A = arith.addi %mul3A_0, %arg0 : i32
    %mul3A_1 = arith.constant 512 : i32
    %mul3A_2 = arith.muli %add3A, %mul3A_1 : i32
    "tpu.region"() ({
      %run_scoped3A = tpu.sem_alloc : memref<!tpu.dma_semaphore, #tpu.memory_space<semaphore_mem>>
      %dma_start3A = arith.constant 0 : i32
      %dma_start3A_27 = tpu.memref_slice %arg2[%dma_start3A, %mul3A_2] : memref<10x16384xi32, #tpu.memory_space<hbm>> -> memref<10x512xi32, #tpu.memory_space<hbm>>
      %dma_start3A_28 = arith.constant 0 : i32
      %dma_start3A_29 = tpu.memref_slice %arg2[%dma_start3A_28, %mul3A_2] : memref<10x16384xi32, #tpu.memory_space<hbm>> -> memref<10x512xi32, #tpu.memory_space<hbm>>
      tpu.enqueue_dma source(%dma_start3A_29 : memref<10x512xi32, #tpu.memory_space<hbm>>) target(%arg4 : memref<10x512xi32, #tpu.memory_space<vmem>>) target_semaphore(%run_scoped3A : memref<!tpu.dma_semaphore, #tpu.memory_space<semaphore_mem>>)
      %dma_wait3A = arith.constant 0 : i32
      %dma_wait3A_30 = tpu.memref_slice %arg2[%dma_wait3A, %mul3A_2] : memref<10x16384xi32, #tpu.memory_space<hbm>> -> memref<10x512xi32, #tpu.memory_space<hbm>>
      %dma_wait3A_31 = arith.constant 0 : i32
      %dma_wait3A_32 = tpu.memref_slice %arg2[%dma_wait3A_31, %mul3A_2] : memref<10x16384xi32, #tpu.memory_space<hbm>> -> memref<10x512xi32, #tpu.memory_space<hbm>>
      tpu.wait_dma2 semaphore(%run_scoped3A : memref<!tpu.dma_semaphore, #tpu.memory_space<semaphore_mem>>) src(%dma_wait3A_32 : memref<10x512xi32, #tpu.memory_space<hbm>>) dst(%arg4 : memref<10x512xi32, #tpu.memory_space<vmem>>)
      tpu.yield
    }) : () -> ()
    %get3A = arith.constant 9 : i32
    %get3A_3 = arith.index_cast %get3A : i32 to index
    %get3A_4 = arith.constant 128 : index
    %get3A_5 = tpu.vector_load %arg4[%get3A_3, %get3A_4] {strides = array<i32>} : memref<10x512xi32, #tpu.memory_space<vmem>>, vector<16xi32>,
    %bitcast3A = vector.bitcast %get3A_5 : vector<16xi32> to vector<16xf32>
    %get3A_6 = arith.constant 9 : i32
    %get3A_7 = arith.index_cast %get3A_6 : i32 to index
    %get3A_8 = arith.constant 144 : index
    %get3A_9 = tpu.vector_load %arg4[%get3A_7, %get3A_8] {strides = array<i32>} : memref<10x512xi32, #tpu.memory_space<vmem>>, vector<16xi32>,
    %bitcast3A_10 = vector.bitcast %get3A_9 : vector<16xi32> to vector<16xf32>
    %get3A_11 = arith.constant 9 : i32
    %get3A_12 = arith.index_cast %get3A_11 : i32 to index
    %get3A_13 = arith.constant 160 : index
    %get3A_14 = tpu.vector_load %arg4[%get3A_12, %get3A_13] {strides = array<i32>} : memref<10x512xi32, #tpu.memory_space<vmem>>, vector<16xi32>,
    %bitcast3A_15 = vector.bitcast %get3A_14 : vector<16xi32> to vector<16xf32>
    %get3A_16 = arith.constant 9 : i32
    %get3A_17 = arith.index_cast %get3A_16 : i32 to index
    %get3A_18 = arith.constant 176 : index
    %get3A_19 = tpu.vector_load %arg4[%get3A_17, %get3A_18] {strides = array<i32>} : memref<10x512xi32, #tpu.memory_space<vmem>>, vector<16xi32>,
    %bitcast3A_20 = vector.bitcast %get3A_19 : vector<16xi32> to vector<16xf32>
    %broadcast_in_dim3A = arith.constant 9 : i32
    %broadcast_in_dim3A_21 = vector.broadcast %broadcast_in_dim3A : i32 to vector<16xi32>
    %scan3A = arith.constant 0 : i32
    %scan3A_22 = arith.constant 0 : i32
    %scan3A_23 = arith.constant 32 : i32
    %scan3A_24 = arith.addi %scan3A_22, %scan3A_23 : i32
    %scan3A_25 = arith.constant 1 : i32
    scf.for %scan3A_27 = %scan3A_22 to %scan3A_24 step %scan3A_25  : i32 {
      %mul3A_28 = arith.constant 1 : i32
      %mul3A_29 = arith.muli %scan3A_27, %mul3A_28 : i32
      %add3A_30 = arith.constant 0 : i32
      %add3A_31 = arith.addi %mul3A_29, %add3A_30 : i32
      %mul3A_32 = arith.constant 16 : i32
      %mul3A_33 = arith.muli %add3A_31, %mul3A_32 : i32
      %get3A_34 = arith.constant 5 : i32
      %get3A_35 = arith.index_cast %get3A_34 : i32 to index
      %get3A_36 = arith.index_cast %mul3A_33 : i32 to index
      %get3A_37 = tpu.vector_load %arg4[%get3A_35, %get3A_36] {strides = array<i32>} : memref<10x512xi32, #tpu.memory_space<vmem>>, vector<16xi32>,
      %bitcast3A_38 = vector.bitcast %get3A_37 : vector<16xi32> to vector<16xf32>
      %get3A_39 = arith.constant 6 : i32
      %get3A_40 = arith.index_cast %get3A_39 : i32 to index
      %get3A_41 = arith.index_cast %mul3A_33 : i32 to index
      %get3A_42 = tpu.vector_load %arg4[%get3A_40, %get3A_41] {strides = array<i32>} : memref<10x512xi32, #tpu.memory_space<vmem>>, vector<16xi32>,
      %bitcast3A_43 = vector.bitcast %get3A_42 : vector<16xi32> to vector<16xf32>
      %get3A_44 = arith.constant 7 : i32
      %get3A_45 = arith.index_cast %get3A_44 : i32 to index
      %get3A_46 = arith.index_cast %mul3A_33 : i32 to index
      %get3A_47 = tpu.vector_load %arg4[%get3A_45, %get3A_46] {strides = array<i32>} : memref<10x512xi32, #tpu.memory_space<vmem>>, vector<16xi32>,
      %bitcast3A_48 = vector.bitcast %get3A_47 : vector<16xi32> to vector<16xf32>
      %get3A_49 = arith.constant 8 : i32
      %get3A_50 = arith.index_cast %get3A_49 : i32 to index
      %get3A_51 = arith.index_cast %mul3A_33 : i32 to index
      %get3A_52 = tpu.vector_load %arg4[%get3A_50, %get3A_51] {strides = array<i32>} : memref<10x512xi32, #tpu.memory_space<vmem>>, vector<16xi32>,
      %bitcast3A_53 = vector.bitcast %get3A_52 : vector<16xi32> to vector<16xf32>
      %get3A_54 = arith.constant 0 : i32
      %get3A_55 = arith.index_cast %get3A_54 : i32 to index
      %get3A_56 = arith.index_cast %mul3A_33 : i32 to index
      %get3A_57 = tpu.vector_load %arg4[%get3A_55, %get3A_56] {strides = array<i32>} : memref<10x512xi32, #tpu.memory_space<vmem>>, vector<16xi32>,
      %mul3A_58 = arith.constant 2 : i32
      %mul3A_59 = vector.broadcast %mul3A_58 : i32 to vector<16xi32>
      %mul3A_60 = arith.muli %get3A_57, %mul3A_59 : vector<16xi32>
      %gather3A = tpu.vector_load_idx %arg4[%broadcast_in_dim3A_21, %mul3A_60] : memref<10x512xi32, #tpu.memory_space<vmem>>[vector<16xi32>, vector<16xi32>], vector<16xi32>,
      %bitcast3A_61 = vector.bitcast %gather3A : vector<16xi32> to vector<16xf32>
      %add3A_62 = arith.constant 1 : i32
      %add3A_63 = vector.broadcast %add3A_62 : i32 to vector<16xi32>
      %add3A_64 = arith.addi %mul3A_60, %add3A_63 : vector<16xi32>
      %gather3A_65 = tpu.vector_load_idx %arg4[%broadcast_in_dim3A_21, %add3A_64] : memref<10x512xi32, #tpu.memory_space<vmem>>[vector<16xi32>, vector<16xi32>], vector<16xi32>,
      %bitcast3A_66 = vector.bitcast %gather3A_65 : vector<16xi32> to vector<16xf32>
      %add3A_67 = arith.constant 64 : i32
      %add3A_68 = vector.broadcast %add3A_67 : i32 to vector<16xi32>
      %add3A_69 = arith.addi %mul3A_60, %add3A_68 : vector<16xi32>
      %gather3A_70 = tpu.vector_load_idx %arg4[%broadcast_in_dim3A_21, %add3A_69] : memref<10x512xi32, #tpu.memory_space<vmem>>[vector<16xi32>, vector<16xi32>], vector<16xi32>,
      %bitcast3A_71 = vector.bitcast %gather3A_70 : vector<16xi32> to vector<16xf32>
      %add3A_72 = arith.constant 65 : i32
      %add3A_73 = vector.broadcast %add3A_72 : i32 to vector<16xi32>
      %add3A_74 = arith.addi %mul3A_60, %add3A_73 : vector<16xi32>
      %gather3A_75 = tpu.vector_load_idx %arg4[%broadcast_in_dim3A_21, %add3A_74] : memref<10x512xi32, #tpu.memory_space<vmem>>[vector<16xi32>, vector<16xi32>], vector<16xi32>,
      %bitcast3A_76 = vector.bitcast %gather3A_75 : vector<16xi32> to vector<16xf32>
      %mul3A_77 = arith.mulf %bitcast3A_38, %bitcast3A_61 : vector<16xf32>
      %mul3A_78 = arith.mulf %bitcast3A_43, %bitcast3A_71 : vector<16xf32>
      %add3A_79 = arith.addf %mul3A_77, %mul3A_78 : vector<16xf32>
      %mul3A_80 = arith.mulf %bitcast3A_38, %bitcast3A_66 : vector<16xf32>
      %mul3A_81 = arith.mulf %bitcast3A_43, %bitcast3A_76 : vector<16xf32>
      %add3A_82 = arith.addf %mul3A_80, %mul3A_81 : vector<16xf32>
      %get3A_83 = arith.constant 1 : i32
      %get3A_84 = arith.index_cast %get3A_83 : i32 to index
      %get3A_85 = arith.index_cast %mul3A_33 : i32 to index
      %get3A_86 = tpu.vector_load %arg4[%get3A_84, %get3A_85] {strides = array<i32>} : memref<10x512xi32, #tpu.memory_space<vmem>>, vector<16xi32>,
      %mul3A_87 = arith.constant 2 : i32
      %mul3A_88 = vector.broadcast %mul3A_87 : i32 to vector<16xi32>
      %mul3A_89 = arith.muli %get3A_86, %mul3A_88 : vector<16xi32>
      %gather3A_90 = tpu.vector_load_idx %arg4[%broadcast_in_dim3A_21, %mul3A_89] : memref<10x512xi32, #tpu.memory_space<vmem>>[vector<16xi32>, vector<16xi32>], vector<16xi32>,
      %bitcast3A_91 = vector.bitcast %gather3A_90 : vector<16xi32> to vector<16xf32>
      %add3A_92 = arith.constant 1 : i32
      %add3A_93 = vector.broadcast %add3A_92 : i32 to vector<16xi32>
      %add3A_94 = arith.addi %mul3A_89, %add3A_93 : vector<16xi32>
      %gather3A_95 = tpu.vector_load_idx %arg4[%broadcast_in_dim3A_21, %add3A_94] : memref<10x512xi32, #tpu.memory_space<vmem>>[vector<16xi32>, vector<16xi32>], vector<16xi32>,
      %bitcast3A_96 = vector.bitcast %gather3A_95 : vector<16xi32> to vector<16xf32>
      %add3A_97 = arith.constant 64 : i32
      %add3A_98 = vector.broadcast %add3A_97 : i32 to vector<16xi32>
      %add3A_99 = arith.addi %mul3A_89, %add3A_98 : vector<16xi32>
      %gather3A_100 = tpu.vector_load_idx %arg4[%broadcast_in_dim3A_21, %add3A_99] : memref<10x512xi32, #tpu.memory_space<vmem>>[vector<16xi32>, vector<16xi32>], vector<16xi32>,
      %bitcast3A_101 = vector.bitcast %gather3A_100 : vector<16xi32> to vector<16xf32>
      %add3A_102 = arith.constant 65 : i32
      %add3A_103 = vector.broadcast %add3A_102 : i32 to vector<16xi32>
      %add3A_104 = arith.addi %mul3A_89, %add3A_103 : vector<16xi32>
      %gather3A_105 = tpu.vector_load_idx %arg4[%broadcast_in_dim3A_21, %add3A_104] : memref<10x512xi32, #tpu.memory_space<vmem>>[vector<16xi32>, vector<16xi32>], vector<16xi32>,
      %bitcast3A_106 = vector.bitcast %gather3A_105 : vector<16xi32> to vector<16xf32>
      %mul3A_107 = arith.mulf %bitcast3A_38, %bitcast3A_91 : vector<16xf32>
      %mul3A_108 = arith.mulf %bitcast3A_43, %bitcast3A_101 : vector<16xf32>
      %add3A_109 = arith.addf %mul3A_107, %mul3A_108 : vector<16xf32>
      %mul3A_110 = arith.mulf %bitcast3A_38, %bitcast3A_96 : vector<16xf32>
      %mul3A_111 = arith.mulf %bitcast3A_43, %bitcast3A_106 : vector<16xf32>
      %add3A_112 = arith.addf %mul3A_110, %mul3A_111 : vector<16xf32>
      %get3A_113 = arith.constant 2 : i32
      %get3A_114 = arith.index_cast %get3A_113 : i32 to index
      %get3A_115 = arith.index_cast %mul3A_33 : i32 to index
      %get3A_116 = tpu.vector_load %arg4[%get3A_114, %get3A_115] {strides = array<i32>} : memref<10x512xi32, #tpu.memory_space<vmem>>, vector<16xi32>,
      %mul3A_117 = arith.constant 2 : i32
      %mul3A_118 = vector.broadcast %mul3A_117 : i32 to vector<16xi32>
      %mul3A_119 = arith.muli %get3A_116, %mul3A_118 : vector<16xi32>
      %gather3A_120 = tpu.vector_load_idx %arg4[%broadcast_in_dim3A_21, %mul3A_119] : memref<10x512xi32, #tpu.memory_space<vmem>>[vector<16xi32>, vector<16xi32>], vector<16xi32>,
      %bitcast3A_121 = vector.bitcast %gather3A_120 : vector<16xi32> to vector<16xf32>
      %add3A_122 = arith.constant 1 : i32
      %add3A_123 = vector.broadcast %add3A_122 : i32 to vector<16xi32>
      %add3A_124 = arith.addi %mul3A_119, %add3A_123 : vector<16xi32>
      %gather3A_125 = tpu.vector_load_idx %arg4[%broadcast_in_dim3A_21, %add3A_124] : memref<10x512xi32, #tpu.memory_space<vmem>>[vector<16xi32>, vector<16xi32>], vector<16xi32>,
      %bitcast3A_126 = vector.bitcast %gather3A_125 : vector<16xi32> to vector<16xf32>
      %add3A_127 = arith.constant 64 : i32
      %add3A_128 = vector.broadcast %add3A_127 : i32 to vector<16xi32>
      %add3A_129 = arith.addi %mul3A_119, %add3A_128 : vector<16xi32>
      %gather3A_130 = tpu.vector_load_idx %arg4[%broadcast_in_dim3A_21, %add3A_129] : memref<10x512xi32, #tpu.memory_space<vmem>>[vector<16xi32>, vector<16xi32>], vector<16xi32>,
      %bitcast3A_131 = vector.bitcast %gather3A_130 : vector<16xi32> to vector<16xf32>
      %add3A_132 = arith.constant 65 : i32
      %add3A_133 = vector.broadcast %add3A_132 : i32 to vector<16xi32>
      %add3A_134 = arith.addi %mul3A_119, %add3A_133 : vector<16xi32>
      %gather3A_135 = tpu.vector_load_idx %arg4[%broadcast_in_dim3A_21, %add3A_134] : memref<10x512xi32, #tpu.memory_space<vmem>>[vector<16xi32>, vector<16xi32>], vector<16xi32>,
      %bitcast3A_136 = vector.bitcast %gather3A_135 : vector<16xi32> to vector<16xf32>
      %mul3A_137 = arith.mulf %bitcast3A_38, %bitcast3A_121 : vector<16xf32>
      %mul3A_138 = arith.mulf %bitcast3A_43, %bitcast3A_131 : vector<16xf32>
      %add3A_139 = arith.addf %mul3A_137, %mul3A_138 : vector<16xf32>
      %mul3A_140 = arith.mulf %bitcast3A_38, %bitcast3A_126 : vector<16xf32>
      %mul3A_141 = arith.mulf %bitcast3A_43, %bitcast3A_136 : vector<16xf32>
      %add3A_142 = arith.addf %mul3A_140, %mul3A_141 : vector<16xf32>
      %get3A_143 = arith.constant 3 : i32
      %get3A_144 = arith.index_cast %get3A_143 : i32 to index
      %get3A_145 = arith.index_cast %mul3A_33 : i32 to index
      %get3A_146 = tpu.vector_load %arg4[%get3A_144, %get3A_145] {strides = array<i32>} : memref<10x512xi32, #tpu.memory_space<vmem>>, vector<16xi32>,
      %mul3A_147 = arith.constant 2 : i32
      %mul3A_148 = vector.broadcast %mul3A_147 : i32 to vector<16xi32>
      %mul3A_149 = arith.muli %get3A_146, %mul3A_148 : vector<16xi32>
      %gather3A_150 = tpu.vector_load_idx %arg4[%broadcast_in_dim3A_21, %mul3A_149] : memref<10x512xi32, #tpu.memory_space<vmem>>[vector<16xi32>, vector<16xi32>], vector<16xi32>,
      %bitcast3A_151 = vector.bitcast %gather3A_150 : vector<16xi32> to vector<16xf32>
      %add3A_152 = arith.constant 1 : i32
      %add3A_153 = vector.broadcast %add3A_152 : i32 to vector<16xi32>
      %add3A_154 = arith.addi %mul3A_149, %add3A_153 : vector<16xi32>
      %gather3A_155 = tpu.vector_load_idx %arg4[%broadcast_in_dim3A_21, %add3A_154] : memref<10x512xi32, #tpu.memory_space<vmem>>[vector<16xi32>, vector<16xi32>], vector<16xi32>,
      %bitcast3A_156 = vector.bitcast %gather3A_155 : vector<16xi32> to vector<16xf32>
      %add3A_157 = arith.constant 64 : i32
      %add3A_158 = vector.broadcast %add3A_157 : i32 to vector<16xi32>
      %add3A_159 = arith.addi %mul3A_149, %add3A_158 : vector<16xi32>
      %gather3A_160 = tpu.vector_load_idx %arg4[%broadcast_in_dim3A_21, %add3A_159] : memref<10x512xi32, #tpu.memory_space<vmem>>[vector<16xi32>, vector<16xi32>], vector<16xi32>,
      %bitcast3A_161 = vector.bitcast %gather3A_160 : vector<16xi32> to vector<16xf32>
      %add3A_162 = arith.constant 65 : i32
      %add3A_163 = vector.broadcast %add3A_162 : i32 to vector<16xi32>
      %add3A_164 = arith.addi %mul3A_149, %add3A_163 : vector<16xi32>
      %gather3A_165 = tpu.vector_load_idx %arg4[%broadcast_in_dim3A_21, %add3A_164] : memref<10x512xi32, #tpu.memory_space<vmem>>[vector<16xi32>, vector<16xi32>], vector<16xi32>,
      %bitcast3A_166 = vector.bitcast %gather3A_165 : vector<16xi32> to vector<16xf32>
      %mul3A_167 = arith.mulf %bitcast3A_38, %bitcast3A_151 : vector<16xf32>
      %mul3A_168 = arith.mulf %bitcast3A_43, %bitcast3A_161 : vector<16xf32>
      %add3A_169 = arith.addf %mul3A_167, %mul3A_168 : vector<16xf32>
      %mul3A_170 = arith.mulf %bitcast3A_38, %bitcast3A_156 : vector<16xf32>
      %mul3A_171 = arith.mulf %bitcast3A_43, %bitcast3A_166 : vector<16xf32>
      %add3A_172 = arith.addf %mul3A_170, %mul3A_171 : vector<16xf32>
      %get3A_173 = arith.constant 4 : i32
      %get3A_174 = arith.index_cast %get3A_173 : i32 to index
      %get3A_175 = arith.index_cast %mul3A_33 : i32 to index
      %get3A_176 = tpu.vector_load %arg4[%get3A_174, %get3A_175] {strides = array<i32>} : memref<10x512xi32, #tpu.memory_space<vmem>>, vector<16xi32>,
      %mul3A_177 = arith.constant 2 : i32
      %mul3A_178 = vector.broadcast %mul3A_177 : i32 to vector<16xi32>
      %mul3A_179 = arith.muli %get3A_176, %mul3A_178 : vector<16xi32>
      %gather3A_180 = tpu.vector_load_idx %arg4[%broadcast_in_dim3A_21, %mul3A_179] : memref<10x512xi32, #tpu.memory_space<vmem>>[vector<16xi32>, vector<16xi32>], vector<16xi32>,
      %bitcast3A_181 = vector.bitcast %gather3A_180 : vector<16xi32> to vector<16xf32>
      %add3A_182 = arith.constant 1 : i32
      %add3A_183 = vector.broadcast %add3A_182 : i32 to vector<16xi32>
      %add3A_184 = arith.addi %mul3A_179, %add3A_183 : vector<16xi32>
      %gather3A_185 = tpu.vector_load_idx %arg4[%broadcast_in_dim3A_21, %add3A_184] : memref<10x512xi32, #tpu.memory_space<vmem>>[vector<16xi32>, vector<16xi32>], vector<16xi32>,
      %bitcast3A_186 = vector.bitcast %gather3A_185 : vector<16xi32> to vector<16xf32>
      %add3A_187 = arith.constant 64 : i32
      %add3A_188 = vector.broadcast %add3A_187 : i32 to vector<16xi32>
      %add3A_189 = arith.addi %mul3A_179, %add3A_188 : vector<16xi32>
      %gather3A_190 = tpu.vector_load_idx %arg4[%broadcast_in_dim3A_21, %add3A_189] : memref<10x512xi32, #tpu.memory_space<vmem>>[vector<16xi32>, vector<16xi32>], vector<16xi32>,
      %bitcast3A_191 = vector.bitcast %gather3A_190 : vector<16xi32> to vector<16xf32>
      %add3A_192 = arith.constant 65 : i32
      %add3A_193 = vector.broadcast %add3A_192 : i32 to vector<16xi32>
      %add3A_194 = arith.addi %mul3A_179, %add3A_193 : vector<16xi32>
      %gather3A_195 = tpu.vector_load_idx %arg4[%broadcast_in_dim3A_21, %add3A_194] : memref<10x512xi32, #tpu.memory_space<vmem>>[vector<16xi32>, vector<16xi32>], vector<16xi32>,
      %bitcast3A_196 = vector.bitcast %gather3A_195 : vector<16xi32> to vector<16xf32>
      %mul3A_197 = arith.mulf %bitcast3A_38, %bitcast3A_181 : vector<16xf32>
      %mul3A_198 = arith.mulf %bitcast3A_43, %bitcast3A_191 : vector<16xf32>
      %add3A_199 = arith.addf %mul3A_197, %mul3A_198 : vector<16xf32>
      %mul3A_200 = arith.mulf %bitcast3A_38, %bitcast3A_186 : vector<16xf32>
      %mul3A_201 = arith.mulf %bitcast3A_43, %bitcast3A_196 : vector<16xf32>
      %add3A_202 = arith.addf %mul3A_200, %mul3A_201 : vector<16xf32>
      %sub3A = arith.subf %add3A_79, %add3A_109 : vector<16xf32>
      %sub3A_203 = arith.subf %add3A_82, %add3A_112 : vector<16xf32>
      %mul3A_204 = arith.mulf %sub3A, %sub3A : vector<16xf32>
      %mul3A_205 = arith.mulf %sub3A_203, %sub3A_203 : vector<16xf32>
      %mul3A_206 = arith.mulf %bitcast3A, %mul3A_204 : vector<16xf32>
      %mul3A_207 = arith.mulf %bitcast3A_10, %mul3A_205 : vector<16xf32>
      %add3A_208 = arith.addf %mul3A_206, %mul3A_207 : vector<16xf32>
      %add3A_209 = arith.constant 9.99999996E-13 : f32
      %add3A_210 = vector.broadcast %add3A_209 : f32 to vector<16xf32>
      %add3A_211 = arith.addf %add3A_208, %add3A_210 : vector<16xf32>
      %bitcast3A_212 = vector.bitcast %add3A_211 : vector<16xf32> to vector<16xi32>
      %shift_right_arithmetic3A = arith.constant 1 : i32
      %shift_right_arithmetic3A_213 = vector.broadcast %shift_right_arithmetic3A : i32 to vector<16xi32>
      %shift_right_arithmetic3A_214 = arith.shrsi %bitcast3A_212, %shift_right_arithmetic3A_213 : vector<16xi32>
      %sub3A_215 = arith.constant 1597463007 : i32
      %sub3A_216 = vector.broadcast %sub3A_215 : i32 to vector<16xi32>
      %sub3A_217 = arith.subi %sub3A_216, %shift_right_arithmetic3A_214 : vector<16xi32>
      %bitcast3A_218 = vector.bitcast %sub3A_217 : vector<16xi32> to vector<16xf32>
      %mul3A_219 = arith.constant 5.000000e-01 : f32
      %mul3A_220 = vector.broadcast %mul3A_219 : f32 to vector<16xf32>
      %mul3A_221 = arith.mulf %mul3A_220, %add3A_211 : vector<16xf32>
      %mul3A_222 = arith.mulf %mul3A_221, %bitcast3A_218 : vector<16xf32>
      %mul3A_223 = arith.mulf %mul3A_222, %bitcast3A_218 : vector<16xf32>
      %sub3A_224 = arith.constant 1.500000e+00 : f32
      %sub3A_225 = vector.broadcast %sub3A_224 : f32 to vector<16xf32>
      %sub3A_226 = arith.subf %sub3A_225, %mul3A_223 : vector<16xf32>
      %mul3A_227 = arith.mulf %bitcast3A_218, %sub3A_226 : vector<16xf32>
      %mul3A_228 = arith.mulf %add3A_211, %mul3A_227 : vector<16xf32>
      %mul3A_229 = arith.mulf %bitcast3A_15, %mul3A_204 : vector<16xf32>
      %mul3A_230 = arith.mulf %bitcast3A_20, %mul3A_205 : vector<16xf32>
      %add3A_231 = arith.addf %mul3A_229, %mul3A_230 : vector<16xf32>
      %add3A_232 = arith.constant 9.99999996E-13 : f32
      %add3A_233 = vector.broadcast %add3A_232 : f32 to vector<16xf32>
      %add3A_234 = arith.addf %add3A_231, %add3A_233 : vector<16xf32>
      %bitcast3A_235 = vector.bitcast %add3A_234 : vector<16xf32> to vector<16xi32>
      %shift_right_arithmetic3A_236 = arith.constant 1 : i32
      %shift_right_arithmetic3A_237 = vector.broadcast %shift_right_arithmetic3A_236 : i32 to vector<16xi32>
      %shift_right_arithmetic3A_238 = arith.shrsi %bitcast3A_235, %shift_right_arithmetic3A_237 : vector<16xi32>
      %sub3A_239 = arith.constant 1597463007 : i32
      %sub3A_240 = vector.broadcast %sub3A_239 : i32 to vector<16xi32>
      %sub3A_241 = arith.subi %sub3A_240, %shift_right_arithmetic3A_238 : vector<16xi32>
      %bitcast3A_242 = vector.bitcast %sub3A_241 : vector<16xi32> to vector<16xf32>
      %mul3A_243 = arith.constant 5.000000e-01 : f32
      %mul3A_244 = vector.broadcast %mul3A_243 : f32 to vector<16xf32>
      %mul3A_245 = arith.mulf %mul3A_244, %add3A_234 : vector<16xf32>
      %mul3A_246 = arith.mulf %mul3A_245, %bitcast3A_242 : vector<16xf32>
      %mul3A_247 = arith.mulf %mul3A_246, %bitcast3A_242 : vector<16xf32>
      %sub3A_248 = arith.constant 1.500000e+00 : f32
      %sub3A_249 = vector.broadcast %sub3A_248 : f32 to vector<16xf32>
      %sub3A_250 = arith.subf %sub3A_249, %mul3A_247 : vector<16xf32>
      %mul3A_251 = arith.mulf %bitcast3A_242, %sub3A_250 : vector<16xf32>
      %mul3A_252 = arith.mulf %add3A_234, %mul3A_251 : vector<16xf32>
      %mul3A_253 = arith.constant -1.000000e+01 : f32
      %mul3A_254 = vector.broadcast %mul3A_253 : f32 to vector<16xf32>
      %mul3A_255 = arith.mulf %mul3A_254, %mul3A_228 : vector<16xf32>
      %exp3A = math.exp %mul3A_255 : vector<16xf32>
      %mul3A_256 = arith.constant -1.000000e+01 : f32
      %mul3A_257 = vector.broadcast %mul3A_256 : f32 to vector<16xf32>
      %mul3A_258 = arith.mulf %mul3A_257, %mul3A_252 : vector<16xf32>
      %exp3A_259 = math.exp %mul3A_258 : vector<16xf32>
      %mul3A_260 = arith.mulf %bitcast3A_48, %exp3A : vector<16xf32>
      %mul3A_261 = arith.mulf %bitcast3A_53, %exp3A_259 : vector<16xf32>
      %add3A_262 = arith.addf %mul3A_260, %mul3A_261 : vector<16xf32>
      %sub3A_263 = arith.subf %add3A_79, %add3A_139 : vector<16xf32>
      %sub3A_264 = arith.subf %add3A_82, %add3A_142 : vector<16xf32>
      %mul3A_265 = arith.mulf %sub3A_263, %sub3A_263 : vector<16xf32>
      %mul3A_266 = arith.mulf %sub3A_264, %sub3A_264 : vector<16xf32>
      %mul3A_267 = arith.mulf %bitcast3A, %mul3A_265 : vector<16xf32>
      %mul3A_268 = arith.mulf %bitcast3A_10, %mul3A_266 : vector<16xf32>
      %add3A_269 = arith.addf %mul3A_267, %mul3A_268 : vector<16xf32>
      %add3A_270 = arith.constant 9.99999996E-13 : f32
      %add3A_271 = vector.broadcast %add3A_270 : f32 to vector<16xf32>
      %add3A_272 = arith.addf %add3A_269, %add3A_271 : vector<16xf32>
      %bitcast3A_273 = vector.bitcast %add3A_272 : vector<16xf32> to vector<16xi32>
      %shift_right_arithmetic3A_274 = arith.constant 1 : i32
      %shift_right_arithmetic3A_275 = vector.broadcast %shift_right_arithmetic3A_274 : i32 to vector<16xi32>
      %shift_right_arithmetic3A_276 = arith.shrsi %bitcast3A_273, %shift_right_arithmetic3A_275 : vector<16xi32>
      %sub3A_277 = arith.constant 1597463007 : i32
      %sub3A_278 = vector.broadcast %sub3A_277 : i32 to vector<16xi32>
      %sub3A_279 = arith.subi %sub3A_278, %shift_right_arithmetic3A_276 : vector<16xi32>
      %bitcast3A_280 = vector.bitcast %sub3A_279 : vector<16xi32> to vector<16xf32>
      %mul3A_281 = arith.constant 5.000000e-01 : f32
      %mul3A_282 = vector.broadcast %mul3A_281 : f32 to vector<16xf32>
      %mul3A_283 = arith.mulf %mul3A_282, %add3A_272 : vector<16xf32>
      %mul3A_284 = arith.mulf %mul3A_283, %bitcast3A_280 : vector<16xf32>
      %mul3A_285 = arith.mulf %mul3A_284, %bitcast3A_280 : vector<16xf32>
      %sub3A_286 = arith.constant 1.500000e+00 : f32
      %sub3A_287 = vector.broadcast %sub3A_286 : f32 to vector<16xf32>
      %sub3A_288 = arith.subf %sub3A_287, %mul3A_285 : vector<16xf32>
      %mul3A_289 = arith.mulf %bitcast3A_280, %sub3A_288 : vector<16xf32>
      %mul3A_290 = arith.mulf %add3A_272, %mul3A_289 : vector<16xf32>
      %mul3A_291 = arith.mulf %bitcast3A_15, %mul3A_265 : vector<16xf32>
      %mul3A_292 = arith.mulf %bitcast3A_20, %mul3A_266 : vector<16xf32>
      %add3A_293 = arith.addf %mul3A_291, %mul3A_292 : vector<16xf32>
      %add3A_294 = arith.constant 9.99999996E-13 : f32
      %add3A_295 = vector.broadcast %add3A_294 : f32 to vector<16xf32>
      %add3A_296 = arith.addf %add3A_293, %add3A_295 : vector<16xf32>
      %bitcast3A_297 = vector.bitcast %add3A_296 : vector<16xf32> to vector<16xi32>
      %shift_right_arithmetic3A_298 = arith.constant 1 : i32
      %shift_right_arithmetic3A_299 = vector.broadcast %shift_right_arithmetic3A_298 : i32 to vector<16xi32>
      %shift_right_arithmetic3A_300 = arith.shrsi %bitcast3A_297, %shift_right_arithmetic3A_299 : vector<16xi32>
      %sub3A_301 = arith.constant 1597463007 : i32
      %sub3A_302 = vector.broadcast %sub3A_301 : i32 to vector<16xi32>
      %sub3A_303 = arith.subi %sub3A_302, %shift_right_arithmetic3A_300 : vector<16xi32>
      %bitcast3A_304 = vector.bitcast %sub3A_303 : vector<16xi32> to vector<16xf32>
      %mul3A_305 = arith.constant 5.000000e-01 : f32
      %mul3A_306 = vector.broadcast %mul3A_305 : f32 to vector<16xf32>
      %mul3A_307 = arith.mulf %mul3A_306, %add3A_296 : vector<16xf32>
      %mul3A_308 = arith.mulf %mul3A_307, %bitcast3A_304 : vector<16xf32>
      %mul3A_309 = arith.mulf %mul3A_308, %bitcast3A_304 : vector<16xf32>
      %sub3A_310 = arith.constant 1.500000e+00 : f32
      %sub3A_311 = vector.broadcast %sub3A_310 : f32 to vector<16xf32>
      %sub3A_312 = arith.subf %sub3A_311, %mul3A_309 : vector<16xf32>
      %mul3A_313 = arith.mulf %bitcast3A_304, %sub3A_312 : vector<16xf32>
      %mul3A_314 = arith.mulf %add3A_296, %mul3A_313 : vector<16xf32>
      %mul3A_315 = arith.constant -1.000000e+01 : f32
      %mul3A_316 = vector.broadcast %mul3A_315 : f32 to vector<16xf32>
      %mul3A_317 = arith.mulf %mul3A_316, %mul3A_290 : vector<16xf32>
      %exp3A_318 = math.exp %mul3A_317 : vector<16xf32>
      %mul3A_319 = arith.constant -1.000000e+01 : f32
      %mul3A_320 = vector.broadcast %mul3A_319 : f32 to vector<16xf32>
      %mul3A_321 = arith.mulf %mul3A_320, %mul3A_314 : vector<16xf32>
      %exp3A_322 = math.exp %mul3A_321 : vector<16xf32>
      %mul3A_323 = arith.mulf %bitcast3A_48, %exp3A_318 : vector<16xf32>
      %mul3A_324 = arith.mulf %bitcast3A_53, %exp3A_322 : vector<16xf32>
      %add3A_325 = arith.addf %mul3A_323, %mul3A_324 : vector<16xf32>
      %sub3A_326 = arith.subf %add3A_79, %add3A_169 : vector<16xf32>
      %sub3A_327 = arith.subf %add3A_82, %add3A_172 : vector<16xf32>
      %mul3A_328 = arith.mulf %sub3A_326, %sub3A_326 : vector<16xf32>
      %mul3A_329 = arith.mulf %sub3A_327, %sub3A_327 : vector<16xf32>
      %mul3A_330 = arith.mulf %bitcast3A, %mul3A_328 : vector<16xf32>
      %mul3A_331 = arith.mulf %bitcast3A_10, %mul3A_329 : vector<16xf32>
      %add3A_332 = arith.addf %mul3A_330, %mul3A_331 : vector<16xf32>
      %add3A_333 = arith.constant 9.99999996E-13 : f32
      %add3A_334 = vector.broadcast %add3A_333 : f32 to vector<16xf32>
      %add3A_335 = arith.addf %add3A_332, %add3A_334 : vector<16xf32>
      %bitcast3A_336 = vector.bitcast %add3A_335 : vector<16xf32> to vector<16xi32>
      %shift_right_arithmetic3A_337 = arith.constant 1 : i32
      %shift_right_arithmetic3A_338 = vector.broadcast %shift_right_arithmetic3A_337 : i32 to vector<16xi32>
      %shift_right_arithmetic3A_339 = arith.shrsi %bitcast3A_336, %shift_right_arithmetic3A_338 : vector<16xi32>
      %sub3A_340 = arith.constant 1597463007 : i32
      %sub3A_341 = vector.broadcast %sub3A_340 : i32 to vector<16xi32>
      %sub3A_342 = arith.subi %sub3A_341, %shift_right_arithmetic3A_339 : vector<16xi32>
      %bitcast3A_343 = vector.bitcast %sub3A_342 : vector<16xi32> to vector<16xf32>
      %mul3A_344 = arith.constant 5.000000e-01 : f32
      %mul3A_345 = vector.broadcast %mul3A_344 : f32 to vector<16xf32>
      %mul3A_346 = arith.mulf %mul3A_345, %add3A_335 : vector<16xf32>
      %mul3A_347 = arith.mulf %mul3A_346, %bitcast3A_343 : vector<16xf32>
      %mul3A_348 = arith.mulf %mul3A_347, %bitcast3A_343 : vector<16xf32>
      %sub3A_349 = arith.constant 1.500000e+00 : f32
      %sub3A_350 = vector.broadcast %sub3A_349 : f32 to vector<16xf32>
      %sub3A_351 = arith.subf %sub3A_350, %mul3A_348 : vector<16xf32>
      %mul3A_352 = arith.mulf %bitcast3A_343, %sub3A_351 : vector<16xf32>
      %mul3A_353 = arith.mulf %add3A_335, %mul3A_352 : vector<16xf32>
      %mul3A_354 = arith.mulf %bitcast3A_15, %mul3A_328 : vector<16xf32>
      %mul3A_355 = arith.mulf %bitcast3A_20, %mul3A_329 : vector<16xf32>
      %add3A_356 = arith.addf %mul3A_354, %mul3A_355 : vector<16xf32>
      %add3A_357 = arith.constant 9.99999996E-13 : f32
      %add3A_358 = vector.broadcast %add3A_357 : f32 to vector<16xf32>
      %add3A_359 = arith.addf %add3A_356, %add3A_358 : vector<16xf32>
      %bitcast3A_360 = vector.bitcast %add3A_359 : vector<16xf32> to vector<16xi32>
      %shift_right_arithmetic3A_361 = arith.constant 1 : i32
      %shift_right_arithmetic3A_362 = vector.broadcast %shift_right_arithmetic3A_361 : i32 to vector<16xi32>
      %shift_right_arithmetic3A_363 = arith.shrsi %bitcast3A_360, %shift_right_arithmetic3A_362 : vector<16xi32>
      %sub3A_364 = arith.constant 1597463007 : i32
      %sub3A_365 = vector.broadcast %sub3A_364 : i32 to vector<16xi32>
      %sub3A_366 = arith.subi %sub3A_365, %shift_right_arithmetic3A_363 : vector<16xi32>
      %bitcast3A_367 = vector.bitcast %sub3A_366 : vector<16xi32> to vector<16xf32>
      %mul3A_368 = arith.constant 5.000000e-01 : f32
      %mul3A_369 = vector.broadcast %mul3A_368 : f32 to vector<16xf32>
      %mul3A_370 = arith.mulf %mul3A_369, %add3A_359 : vector<16xf32>
      %mul3A_371 = arith.mulf %mul3A_370, %bitcast3A_367 : vector<16xf32>
      %mul3A_372 = arith.mulf %mul3A_371, %bitcast3A_367 : vector<16xf32>
      %sub3A_373 = arith.constant 1.500000e+00 : f32
      %sub3A_374 = vector.broadcast %sub3A_373 : f32 to vector<16xf32>
      %sub3A_375 = arith.subf %sub3A_374, %mul3A_372 : vector<16xf32>
      %mul3A_376 = arith.mulf %bitcast3A_367, %sub3A_375 : vector<16xf32>
      %mul3A_377 = arith.mulf %add3A_359, %mul3A_376 : vector<16xf32>
      %mul3A_378 = arith.constant -1.000000e+01 : f32
      %mul3A_379 = vector.broadcast %mul3A_378 : f32 to vector<16xf32>
      %mul3A_380 = arith.mulf %mul3A_379, %mul3A_353 : vector<16xf32>
      %exp3A_381 = math.exp %mul3A_380 : vector<16xf32>
      %mul3A_382 = arith.constant -1.000000e+01 : f32
      %mul3A_383 = vector.broadcast %mul3A_382 : f32 to vector<16xf32>
      %mul3A_384 = arith.mulf %mul3A_383, %mul3A_377 : vector<16xf32>
      %exp3A_385 = math.exp %mul3A_384 : vector<16xf32>
      %mul3A_386 = arith.mulf %bitcast3A_48, %exp3A_381 : vector<16xf32>
      %mul3A_387 = arith.mulf %bitcast3A_53, %exp3A_385 : vector<16xf32>
      %add3A_388 = arith.addf %mul3A_386, %mul3A_387 : vector<16xf32>
      %sub3A_389 = arith.subf %add3A_79, %add3A_199 : vector<16xf32>
      %sub3A_390 = arith.subf %add3A_82, %add3A_202 : vector<16xf32>
      %mul3A_391 = arith.mulf %sub3A_389, %sub3A_389 : vector<16xf32>
      %mul3A_392 = arith.mulf %sub3A_390, %sub3A_390 : vector<16xf32>
      %mul3A_393 = arith.mulf %bitcast3A, %mul3A_391 : vector<16xf32>
      %mul3A_394 = arith.mulf %bitcast3A_10, %mul3A_392 : vector<16xf32>
      %add3A_395 = arith.addf %mul3A_393, %mul3A_394 : vector<16xf32>
      %add3A_396 = arith.constant 9.99999996E-13 : f32
      %add3A_397 = vector.broadcast %add3A_396 : f32 to vector<16xf32>
      %add3A_398 = arith.addf %add3A_395, %add3A_397 : vector<16xf32>
      %bitcast3A_399 = vector.bitcast %add3A_398 : vector<16xf32> to vector<16xi32>
      %shift_right_arithmetic3A_400 = arith.constant 1 : i32
      %shift_right_arithmetic3A_401 = vector.broadcast %shift_right_arithmetic3A_400 : i32 to vector<16xi32>
      %shift_right_arithmetic3A_402 = arith.shrsi %bitcast3A_399, %shift_right_arithmetic3A_401 : vector<16xi32>
      %sub3A_403 = arith.constant 1597463007 : i32
      %sub3A_404 = vector.broadcast %sub3A_403 : i32 to vector<16xi32>
      %sub3A_405 = arith.subi %sub3A_404, %shift_right_arithmetic3A_402 : vector<16xi32>
      %bitcast3A_406 = vector.bitcast %sub3A_405 : vector<16xi32> to vector<16xf32>
      %mul3A_407 = arith.constant 5.000000e-01 : f32
      %mul3A_408 = vector.broadcast %mul3A_407 : f32 to vector<16xf32>
      %mul3A_409 = arith.mulf %mul3A_408, %add3A_398 : vector<16xf32>
      %mul3A_410 = arith.mulf %mul3A_409, %bitcast3A_406 : vector<16xf32>
      %mul3A_411 = arith.mulf %mul3A_410, %bitcast3A_406 : vector<16xf32>
      %sub3A_412 = arith.constant 1.500000e+00 : f32
      %sub3A_413 = vector.broadcast %sub3A_412 : f32 to vector<16xf32>
      %sub3A_414 = arith.subf %sub3A_413, %mul3A_411 : vector<16xf32>
      %mul3A_415 = arith.mulf %bitcast3A_406, %sub3A_414 : vector<16xf32>
      %mul3A_416 = arith.mulf %add3A_398, %mul3A_415 : vector<16xf32>
      %mul3A_417 = arith.mulf %bitcast3A_15, %mul3A_391 : vector<16xf32>
      %mul3A_418 = arith.mulf %bitcast3A_20, %mul3A_392 : vector<16xf32>
      %add3A_419 = arith.addf %mul3A_417, %mul3A_418 : vector<16xf32>
      %add3A_420 = arith.constant 9.99999996E-13 : f32
      %add3A_421 = vector.broadcast %add3A_420 : f32 to vector<16xf32>
      %add3A_422 = arith.addf %add3A_419, %add3A_421 : vector<16xf32>
      %bitcast3A_423 = vector.bitcast %add3A_422 : vector<16xf32> to vector<16xi32>
      %shift_right_arithmetic3A_424 = arith.constant 1 : i32
      %shift_right_arithmetic3A_425 = vector.broadcast %shift_right_arithmetic3A_424 : i32 to vector<16xi32>
      %shift_right_arithmetic3A_426 = arith.shrsi %bitcast3A_423, %shift_right_arithmetic3A_425 : vector<16xi32>
      %sub3A_427 = arith.constant 1597463007 : i32
      %sub3A_428 = vector.broadcast %sub3A_427 : i32 to vector<16xi32>
      %sub3A_429 = arith.subi %sub3A_428, %shift_right_arithmetic3A_426 : vector<16xi32>
      %bitcast3A_430 = vector.bitcast %sub3A_429 : vector<16xi32> to vector<16xf32>
      %mul3A_431 = arith.constant 5.000000e-01 : f32
      %mul3A_432 = vector.broadcast %mul3A_431 : f32 to vector<16xf32>
      %mul3A_433 = arith.mulf %mul3A_432, %add3A_422 : vector<16xf32>
      %mul3A_434 = arith.mulf %mul3A_433, %bitcast3A_430 : vector<16xf32>
      %mul3A_435 = arith.mulf %mul3A_434, %bitcast3A_430 : vector<16xf32>
      %sub3A_436 = arith.constant 1.500000e+00 : f32
      %sub3A_437 = vector.broadcast %sub3A_436 : f32 to vector<16xf32>
      %sub3A_438 = arith.subf %sub3A_437, %mul3A_435 : vector<16xf32>
      %mul3A_439 = arith.mulf %bitcast3A_430, %sub3A_438 : vector<16xf32>
      %mul3A_440 = arith.mulf %add3A_422, %mul3A_439 : vector<16xf32>
      %mul3A_441 = arith.constant -1.000000e+01 : f32
      %mul3A_442 = vector.broadcast %mul3A_441 : f32 to vector<16xf32>
      %mul3A_443 = arith.mulf %mul3A_442, %mul3A_416 : vector<16xf32>
      %exp3A_444 = math.exp %mul3A_443 : vector<16xf32>
      %mul3A_445 = arith.constant -1.000000e+01 : f32
      %mul3A_446 = vector.broadcast %mul3A_445 : f32 to vector<16xf32>
      %mul3A_447 = arith.mulf %mul3A_446, %mul3A_440 : vector<16xf32>
      %exp3A_448 = math.exp %mul3A_447 : vector<16xf32>
      %mul3A_449 = arith.mulf %bitcast3A_48, %exp3A_444 : vector<16xf32>
      %mul3A_450 = arith.mulf %bitcast3A_53, %exp3A_448 : vector<16xf32>
      %add3A_451 = arith.addf %mul3A_449, %mul3A_450 : vector<16xf32>
      %add3A_452 = arith.addf %add3A_262, %add3A_325 : vector<16xf32>
      %add3A_453 = arith.addf %add3A_452, %add3A_388 : vector<16xf32>
      %add3A_454 = arith.addf %add3A_453, %add3A_451 : vector<16xf32>
      %div3A = arith.constant 1.000000e+00 : f32
      %div3A_455 = vector.broadcast %div3A : f32 to vector<16xf32>
      %div3A_456 = arith.divf %div3A_455, %add3A_454 : vector<16xf32>
      %mul3A_457 = arith.mulf %add3A_262, %div3A_456 : vector<16xf32>
      %swap3A = arith.constant 0 : i32
      %swap3A_458 = arith.index_cast %swap3A : i32 to index
      %swap3A_459 = arith.index_cast %mul3A_33 : i32 to index
      %swap3A_460 = tpu.vector_load %arg5[%swap3A_458, %swap3A_459] {strides = array<i32>} : memref<4x512xf32, #tpu.memory_space<vmem>>, vector<16xf32>,
      tpu.vector_store %arg5[%swap3A_458, %swap3A_459], %mul3A_457 {strides = array<i32>} : memref<4x512xf32, #tpu.memory_space<vmem>>, vector<16xf32>,
      %mul3A_461 = arith.mulf %add3A_325, %div3A_456 : vector<16xf32>
      %swap3A_462 = arith.constant 1 : i32
      %swap3A_463 = arith.index_cast %swap3A_462 : i32 to index
      %swap3A_464 = arith.index_cast %mul3A_33 : i32 to index
      %swap3A_465 = tpu.vector_load %arg5[%swap3A_463, %swap3A_464] {strides = array<i32>} : memref<4x512xf32, #tpu.memory_space<vmem>>, vector<16xf32>,
      tpu.vector_store %arg5[%swap3A_463, %swap3A_464], %mul3A_461 {strides = array<i32>} : memref<4x512xf32, #tpu.memory_space<vmem>>, vector<16xf32>,
      %mul3A_466 = arith.mulf %add3A_388, %div3A_456 : vector<16xf32>
      %swap3A_467 = arith.constant 2 : i32
      %swap3A_468 = arith.index_cast %swap3A_467 : i32 to index
      %swap3A_469 = arith.index_cast %mul3A_33 : i32 to index
      %swap3A_470 = tpu.vector_load %arg5[%swap3A_468, %swap3A_469] {strides = array<i32>} : memref<4x512xf32, #tpu.memory_space<vmem>>, vector<16xf32>,
      tpu.vector_store %arg5[%swap3A_468, %swap3A_469], %mul3A_466 {strides = array<i32>} : memref<4x512xf32, #tpu.memory_space<vmem>>, vector<16xf32>,
      %mul3A_471 = arith.mulf %add3A_451, %div3A_456 : vector<16xf32>
      %swap3A_472 = arith.constant 3 : i32
      %swap3A_473 = arith.index_cast %swap3A_472 : i32 to index
      %swap3A_474 = arith.index_cast %mul3A_33 : i32 to index
      %swap3A_475 = tpu.vector_load %arg5[%swap3A_473, %swap3A_474] {strides = array<i32>} : memref<4x512xf32, #tpu.memory_space<vmem>>, vector<16xf32>,
      tpu.vector_store %arg5[%swap3A_473, %swap3A_474], %mul3A_471 {strides = array<i32>} : memref<4x512xf32, #tpu.memory_space<vmem>>, vector<16xf32>,
    }
    %scan3A_26 = arith.constant 32 : i32
    "tpu.region"() ({
      %run_scoped3A = tpu.sem_alloc : memref<!tpu.dma_semaphore, #tpu.memory_space<semaphore_mem>>
      %dma_start3A = arith.constant 0 : i32
      %dma_start3A_27 = tpu.memref_slice %arg3[%dma_start3A, %mul3A_2] : memref<4x16384xf32, #tpu.memory_space<hbm>> -> memref<4x512xf32, #tpu.memory_space<hbm>>
      %dma_start3A_28 = arith.constant 0 : i32
      %dma_start3A_29 = tpu.memref_slice %arg3[%dma_start3A_28, %mul3A_2] : memref<4x16384xf32, #tpu.memory_space<hbm>> -> memref<4x512xf32, #tpu.memory_space<hbm>>
      tpu.enqueue_dma source(%arg5 : memref<4x512xf32, #tpu.memory_space<vmem>>) target(%dma_start3A_29 : memref<4x512xf32, #tpu.memory_space<hbm>>) target_semaphore(%run_scoped3A : memref<!tpu.dma_semaphore, #tpu.memory_space<semaphore_mem>>)
      %dma_wait3A = arith.constant 0 : i32
      %dma_wait3A_30 = tpu.memref_slice %arg3[%dma_wait3A, %mul3A_2] : memref<4x16384xf32, #tpu.memory_space<hbm>> -> memref<4x512xf32, #tpu.memory_space<hbm>>
      %dma_wait3A_31 = arith.constant 0 : i32
      %dma_wait3A_32 = tpu.memref_slice %arg3[%dma_wait3A_31, %mul3A_2] : memref<4x16384xf32, #tpu.memory_space<hbm>> -> memref<4x512xf32, #tpu.memory_space<hbm>>
      tpu.wait_dma2 semaphore(%run_scoped3A : memref<!tpu.dma_semaphore, #tpu.memory_space<semaphore_mem>>) src(%arg5 : memref<4x512xf32, #tpu.memory_space<vmem>>) dst(%dma_wait3A_32 : memref<4x512xf32, #tpu.memory_space<hbm>>)
      tpu.yield
    }) : () -> ()
    return
  }
}

</mosaic_0001>

<sc_bundles>
// kernel: kernel.3.cloned.1.call-start
scs
__scs_entry_jumppad:
0x0: {  	(pc) =	sbr.rel $0x88, $3  }
0x1: {  	(tag) =	ssettag $0x0;
	lr =	simm.s32 $0x1  }
0x2: {  	[smem:$0x3F9A] =	sst lr;
	_ =	strace $0xD0000000  }
0x3: {  	_ = 	snop  }
0x4: {  	_ = 	snop  }
0x5: {  	_ = 	snop  }
0x6: {  	_ = 	snop  }
0x7: {  	_ = 	snop  }
__scs_overlays_trampoline_lowered:
0x8: {  	[smem:$0x3FA9] =	sst s0  }
0x9: {  	[smem:$0x3FAA] =	sst s1  }
0xa: {  	[smem:$0x3FAB] =	sst s2  }
0xb: {  	[smem:$0x3FAC] =	sst s3  }
0xc: {  	[smem:$0x3FAD] =	sst s4  }
0xd: {  	[smem:$0x3FAE] =	sst s5  }
0xe: {  	[smem:$0x3FAF] =	sst s6  }
0xf: {  	[smem:$0x3FB0] =	sst s7  }
0x10: {  	[smem:$0x3FB1] =	sst s8  }
0x11: {  	[smem:$0x3FB2] =	sst s9;
	s0 =	simm.s32 @!p0 $0x0  }
0x12: {  	s1 =	sld [smem:$0x3F98];
	s0 =	simm.s32 @p0 $0x1  }
0x13: {  	[smem:$0x3FB3] =	sst s0;
	s0 =	simm.s32 @!p1 $0x0  }
0x14: {  	s2 =	sld [smem:$0x3F97];
	s0 =	simm.s32 @p1 $0x1  }
0x15: {  	[smem:$0x3FB4] =	sst s0;
	s0 =	simm.s32 @!p2 $0x0  }
0x16: {  	s3 =	sld [smem:$0x3FDB];
	s0 =	simm.s32 @p2 $0x1  }
0x17: {  	s4 =	simm.s32 $0x1BF5;
	[smem:$0x3FB6] =	sst s0  }
0x18: {  	s0 =	sld [smem:$0x3F99];
	_ =	swait.ge [sflag:s4], $0x0  }
0x19: {  	s7 =	sld [smem:$0x3F9A]  }
0x1a: {  	s8 =	sadd.s32 $0xFFFFE003, lr  }
0x1b: {  	s9 =	sadd.s32 $0xFFFFFEF7, lr;
	s5 =	simm.s32 $0xFFFFFFFF;
	p2 =	slt.u32 s8, $0xFFFFF086  }
0x1c: {  	p1 =	slt.u32 s9, $0xF7A;
	s5 =	simm.s32 @!p2 $0x0  }
0x1d: {  	s5 =	simm.s32 @p1 $0x1;
	p0 =	seq.s32 s7, s2  }
0x1e: {  	s7 =	smul.u32 @!p0 $0xF7A, s2;
	p2 =	seq.s32 @!p0 s5, $0x0  }
0x1f: {  	s9 =	smul.u32 $0xF7A, s1;
	s8 =	simm.s32 @!p0 $0x1BF5;
	p2 =	por !p2, p0  }
0x20: {  	[sflag:s8] =	ssyncset.s32 @!p0 $0xFFFFF086;
	s6 =	sadd.s32 @!p0 s3, s7;
	s7 =	simm.s32 @!p0 $0x108  }
0x21: {  	s3 =	sadd.s32 s3, s9;
	s6 =	sadd.s32 @!p0 $0x88, s6;
	s7 =	simm.s32 @p2 $0x1082  }
0x22: {  	[simem:s7], [sflag:s8] =	dma.local @!p0 [hbm:s6], $0xF7A  }
0x23: {  	s9 =	sor.u32 $0xD0000000, s2;
	s6 =	simm.s32 $0x108;
	_ =	swait.ge @!p0 [sflag:s8], $0x0  }
0x24: {  	s3 =	sadd.s32 $0x88, s3;
	s6 =	simm.s32 @!p1 $0x1082;
	[sflag:s4] =	ssyncset.s32 $0xFFFFF086  }
0x25: {  	[simem:s6], [sflag:s4] =	dma.local [hbm:s3], $0xF7A  }
0x26: {  	[smem:$0x3F9A] =	sst s1;
	(tag) =	ssettag s2;
	_ =	strace s9  }
0x27: {  	s1 =	sld [smem:$0x3FAA]  }
0x28: {  	s2 =	sld [smem:$0x3FAB]  }
0x29: {  	s4 =	sld [smem:$0x3FAD]  }
0x2a: {  	p0 =	seq.s32 s5, $0x0;
	s5 =	sld [smem:$0x3FAE]  }
0x2b: {  	s6 =	sld [smem:$0x3FAF]  }
0x2c: {  	s7 =	sld [smem:$0x3FB0]  }
0x2d: {  	s3 =	simm.s32 $0x108;
	s8 =	sld [smem:$0x3FB1]  }
0x2e: {  	s3 =	simm.s32 @!p0 $0x1082;
	s9 =	sld [smem:$0x3FB2]  }
0x2f: {  	lr =	sadd.s32 s0, s3;
	s0 =	sld [smem:$0x3FA9]  }
0x30: {  	s3 =	sld [smem:$0x3FAC]  }
0x31: {  	[smem:$0x3FB5] =	sst s10  }
0x32: {  	s10 =	sld [smem:$0x3FB3];
	_ =	sdelay $0x3  }
0x33: {  	p0 =	seq.s32 s10, $0x1;
	s10 =	sld [smem:$0x3FB5];
	_ =	sdelay $0x3  }
0x34: {  	[smem:$0x3FB5] =	sst s10  }
0x35: {  	s10 =	sld [smem:$0x3FB4];
	_ =	sdelay $0x3  }
0x36: {  	p1 =	seq.s32 s10, $0x1;
	s10 =	sld [smem:$0x3FB5];
	_ =	sdelay $0x3  }
0x37: {  	[smem:$0x3FB5] =	sst s10  }
0x38: {  	s10 =	sld [smem:$0x3FB6]  }
0x39: {  	_ = 	snop;
	(pc) =	sbr.ind lr, $3  }
0x3a: {  	_ = 	snop  }
0x3b: {  	_ = 	snop  }
0x3c: {  	p2 =	seq.s32 s10, $0x1;
	s10 =	sld [smem:$0x3FB5]  }
0x3d: {  	_ =	shalt  }
0x3e: {  	_ =	shalt  }
0x3f: {  	_ =	shalt  }
0x40: {  	_ =	shalt  }
0x41: {  	_ =	shalt  }
0x42: {  	_ =	shalt  }
0x43: {  	_ =	shalt  }
0x44: {  	_ =	shalt  }
0x45: {  	_ =	shalt  }
0x46: {  	_ =	shalt  }
0x47: {  	_ =	shalt  }
0x48: {  	_ =	shalt  }
0x49: {  	_ =	shalt  }
0x4a: {  	_ =	shalt  }
0x4b: {  	_ =	shalt  }
0x4c: {  	_ =	shalt  }
0x4d: {  	_ =	shalt  }
0x4e: {  	_ =	shalt  }
0x4f: {  	_ =	shalt  }
0x50: {  	_ =	shalt  }
0x51: {  	_ =	shalt  }
0x52: {  	_ =	shalt  }
0x53: {  	_ =	shalt  }
0x54: {  	_ =	shalt  }
0x55: {  	_ =	shalt  }
0x56: {  	_ =	shalt  }
0x57: {  	_ =	shalt  }
0x58: {  	_ =	shalt  }
0x59: {  	_ =	shalt  }
0x5a: {  	_ =	shalt  }
0x5b: {  	_ =	shalt  }
0x5c: {  	_ =	shalt  }
0x5d: {  	_ =	shalt  }
0x5e: {  	_ =	shalt  }
0x5f: {  	_ =	shalt  }
0x60: {  	_ =	shalt  }
0x61: {  	_ =	shalt  }
0x62: {  	_ =	shalt  }
0x63: {  	_ =	shalt  }
0x64: {  	_ =	shalt  }
0x65: {  	_ =	shalt  }
0x66: {  	_ =	shalt  }
0x67: {  	_ =	shalt  }
0x68: {  	_ =	shalt  }
0x69: {  	_ =	shalt  }
0x6a: {  	_ =	shalt  }
0x6b: {  	_ =	shalt  }
0x6c: {  	_ =	shalt  }
0x6d: {  	_ =	shalt  }
0x6e: {  	_ =	shalt  }
0x6f: {  	_ =	shalt  }
0x70: {  	_ =	shalt  }
0x71: {  	_ =	shalt  }
0x72: {  	_ =	shalt  }
0x73: {  	_ =	shalt  }
0x74: {  	_ =	shalt  }
0x75: {  	_ =	shalt  }
0x76: {  	_ =	shalt  }
0x77: {  	_ =	shalt  }
0x78: {  	_ =	shalt  }
0x79: {  	_ =	shalt  }
0x7a: {  	_ =	shalt  }
0x7b: {  	_ =	shalt  }
0x7c: {  	_ =	shalt  }
0x7d: {  	_ =	shalt  }
0x7e: {  	_ =	shalt  }
0x7f: {  	_ =	shalt  }
0x80: {  	_ =	shalt  }
0x81: {  	_ =	shalt  }
0x82: {  	_ =	shalt  }
0x83: {  	_ =	shalt  }
0x84: {  	_ =	shalt  }
0x85: {  	_ =	shalt  }
0x86: {  	_ =	shalt  }
0x87: {  	_ =	shalt  }
.Lfunc_end0:
.L_simem_size_0:
called_computation_lowered:
.L_overlay_start_0:
0x88: {  	s2 =	sld [smem:$0x3FD9]  }
0x89: {  	s3 =	sld [smem:$0x3FFE];
	_ =	sdelay $0x1  }
0x8a: {  	s1 =	srdreg.scid  }
0x8b: {  	s0 =	sand.u32 $0x1, s1  }
0x8c: {  	s16 =	sshll.u32 s0, $0xA;
	s2 =	sadd.s32 s3, s2  }
0x8d: {  	s2 =	sadd.s32 s2, s16  }
0x8e: {  	[smem:$0x3FC1] =	sst s2  }
0x8f: {  	_ = 	snop  }
0x90: {  	(tm) =	ssettm $0x1  }
0x91: {  	s17 =	sld [smem:$0x3FFB];
	_ =	sdelay $0x3  }
0x92: {  	_ =	strace s17  }
0x93: {  	s2 =	sld [smem:$0x3FFC];
	_ =	sdelay $0x3  }
0x94: {  	_ =	strace s2  }
0x95: {  	s2 =	sld [smem:$0x3FFD];
	_ =	sdelay $0x3  }
0x96: {  	_ =	strace s2  }
0x97: {  	_ =	strace $0x8FFFFFFF  }
0x98: {  	s18 =	sld [smem:$0x3FDB];
	_ =	sdelay $0x1  }
0x99: {  	s19 =	simm.s32 $_scs_section_size  }
0x9a: {  	s4 =	simm.s32 $_size__tile_overlayer_lowered;
	s5 =	simm.s32 $_tile_overlayer_lowered  }
0x9b: {  	s22 =	simm.s32 $0x1BFF;
	s21 =	sshll.u32 s5, $0x1;
	s2 =	sadd.s32 s19, s18  }
0x9c: {  	s6 =	simm.s32 $0x0;
	s20 =	sshll.u32 s4, $0x1;
	s4 =	sadd.s32 s21, s2  }
0x9d: {  	[timem:s6], [sflag:s22] =	dma.local [hbm:s4], s20  }
0x9e: {  	_ =	swait.ge [sflag:s22], s20  }
0x9f: {  	s3 =	ssub.s32 $0x0, s20;
	[sflag:s22] =	ssyncset.done $0x0  }
0xa0: {  	[sflag:s22] =	ssyncadd.s32 s3;
	_ =	sdelay $0x1  }
0xa1: {  	s23 =	simm.s32 $0x1B8B  }
0xa2: {  	_ =	swait.ge [sflag:s23], $0x1  }
0xa3: {  	[sflag:s23] =	ssyncset.done $0x0  }
0xa4: {  	s25 =	simm.s32 $0x1B8E;
	s24 =	sld [smem:$0x3FFE];
	[sflag:s23] =	ssyncadd.s32 $0xFFFFFFFF  }
0xa5: {  	s26 =	simm.s32 $execute0_lowered;
	[smem:$0x3FD2] =	sst s25  }
0xa6: {  	s4 =	sshll.u32 s26, $0x1;
	_ =	strace $0x80000046;
	[dreg:$0x1] =	wrdreg $0xFFFFFFFF  }
0xa7: {  	s28 =	simm.s32 $_size_execute0_lowered;
	s2 =	sadd.s32 s2, s4;
	[dreg:$0x0] =	wrdreg $0x0  }
0xa8: {  	s4 =	sshll.u32 s28, $0x1;
	[dreg:$0x2] =	wrdreg s2  }
0xa9: {  	[dreg:$0x3] =	wrdreg s4  }
0xaa: {  	[dreg:$0x4] =	wrdreg $0xC0  }
0xab: {  	_ =	task [dreg:s6], $0x5FFFF  }
0xac: {  	[dreg:$0x1] =	wrdreg $0xFFFFFFFF  }
0xad: {  	[dreg:$0x0] =	wrdreg $0x60  }
0xae: {  	[dreg:$0x2] =	wrdreg s24  }
0xaf: {  	[dreg:$0x3] =	wrdreg $0x9  }
0xb0: {  	_ =	task.clear_ibuf [dreg:s6], $0x4FFFF;
	_ =	strace $0x90000046  }
0xb1: {  	s29 =	simm.s32 $0x9;
	_ =	strace $0x80000048  }
0xb2: {  	_ =	swait.ge [sflag:s29], $0x1  }
0xb3: {  	[sflag:s29] =	ssyncadd.s32 $0xFFFFFFFF  }
0xb4: {  	_ =	strace $0x90000048  }
0xb5: {  	_ =	sfence  }
0xb6: {  	s30 =	sld [smem:$0x0];
	_ =	sdelay $0x2  }
0xb7: {  	s31 =	sshll.u32 s1, $0xD;
	s1 =	sshrl.u32 s1, $0x2  }
0xb8: {  	s3 =	sand.u32 $0x4000, s31;
	s1 =	sadd.s32 s1, s30  }
0xb9: {  	s0 =	sor.u32 s3, s0;
	s1 =	sshll.u32 s1, $0x11  }
0xba: {  	s0 =	sor.u32 s1, s0  }
0xbb: {  	s0 =	sadd.s32 $0x8F2B, s0  }
0xbc: {  	[sflag:s0] =	ssyncadd.remote.s32 $0x1  }
0xbd: {  	_ =	sfence.sel $0xFFFF  }
0xbe: {  	[dreg:$0x0] =	wrdreg $0xFFFFFFFF;
	(pc) =	sbr.abs _section_cstart, $3  }
0xbf: {  	[dreg:$0x1] =	wrdreg $0xFFFFFFFF  }
0xc0: {  	_ =	task.clear_ibuf [dreg:s6], $0x2FFFF;
	_ =	strace $0x9FFFFFFF  }
0xc1: {  	(tm) =	ssettm $0x7FFFFFFF  }
tec
execute0_lowered:
.L_overlay_start_1:
0x0: {  	(tag) =	ssettag $0x1  }
0x1: {  	s3 =	rddreg [dreg:$0x0];
	s2 =	srdreg.scid  }
0x2: {  	s0 =	rddreg [dreg:$0x1];
	s1 =	stileid.u32;
	s7 =	simm.s32 $0x4000  }
0x3: {  	s8 =	simm.s32 $0x1;
	s9 =	simm.s32 $0x1400;
	s10 =	simm.s32 $0x0  }
0x4: {  	s4 =	sand.u32 $0x1, s2;
	s2 =	simm.s32 $0x0;
	s5 =	sshll.u32 s1, $0x7  }
0x5: {  	s6 =	sshll.u32 s4, $0x6;
	[smem:$0x7FF] =	sst s2;
	s4 =	ssub.s32 $0x2, s4  }
0x6: {  	s5 =	sor.u32 s6, s5;
	_ =	strace $0x80000047;
	s30 =	sshrl.u32 s4, $0x1  }
0x7: {  	s6 =	simm.s32 $0x200;
	s5 =	sadd.s32 s5, s3;
	s31 =	ssub.s32 s4, s30  }
0x8: {  	s3 =	sadd.s32 $0xE00, s5;
	s4 =	sadd.s32 $0x5E00, s5;
	s5 =	smax.u32 s31, $0x1  }
.LBB2_1:
0x9: {  	[tilespmem:s2], [sflag:$0x1] =	stream.strided.gather [hbm4b:s3+s6], $0x1400, s7, s6, $0x38;
	[tilespmem:$0x1C00] =	vst v63  }
0xa: {  	_ =	swait.ge [sflag:s8], $0x1400  }
0xb: {  	[sflag:s8] =	ssyncset.done $0x0  }
0xc: {  	s11 =	simm.s32 $0x0;
	[sflag:s8] =	ssyncadd.s32 $0xFFFFEC00  }
0xd: {  	v0 =	vld [tilespmem:s11+$0x0]  }
0xe: {  	v1 =	vld [tilespmem:s11+$0x400];
	_ =	sdelay $0x2  }
0xf: {  	v2 =	vld [tilespmem:s11+$0x600]  }
0x10: {  	v0 =	vshll.u32 v0, $0x1  }
0x11: {  	v1 =	vshll.u32 v1, $0x1;
	v3 =	vadd.s32 $0x1201, v0  }
0x12: {  	v4 =	vld [tilespmem:s11+$0x800];
	v5 =	vadd.s32 $0x1200, v1  }
0x13: {  	v6 =	vld [tilespmem:s11+$0x200];
	v7 =	vadd.s32 $0x1201, v1  }
0x14: {  	v8 =	vld [tilespmem:s11+$0xC00];
	v2 =	vshll.u32 v2, $0x1;
	v9 =	vadd.s32 $0x1240, v1  }
0x15: {  	v10 =	vld [tilespmem:s11+$0xA00];
	v11 =	vadd.s32 $0x1201, v2  }
0x16: {  	v12 =	vadd.s32 $0x1200, v2;
	v3 =	vld.idx.msk [tilespmem:v3+s2+$0x0], $0xffff  }
0x17: {  	v4 =	vshll.u32 v4, $0x1;
	v13 =	vadd.s32 $0x1241, v2;
	v5 =	vld.idx.msk [tilespmem:v5+s2+$0x0], $0xffff  }
0x18: {  	v14 =	vadd.s32 $0x1240, v4;
	v7 =	vld.idx.msk [tilespmem:v7+s2+$0x0], $0xffff  }
0x19: {  	v2 =	vadd.s32 $0x1240, v2;
	v9 =	vld.idx.msk [tilespmem:v9+s2+$0x0], $0xffff  }
0x1a: {  	v6 =	vshll.u32 v6, $0x1;
	v15 =	vadd.s32 $0x1200, v4;
	v11 =	vld.idx.msk [tilespmem:v11+s2+$0x0], $0xffff  }
0x1b: {  	v16 =	vadd.s32 $0x1241, v6;
	v12 =	vld.idx.msk [tilespmem:v12+s2+$0x0], $0xffff  }
0x1c: {  	v17 =	vadd.s32 $0x1200, v0;
	v13 =	vld.idx.msk [tilespmem:v13+s2+$0x0], $0xffff  }
0x1d: {  	v18 =	vadd.s32 $0x1240, v0;
	v14 =	vld.idx.msk [tilespmem:v14+s2+$0x0], $0xffff  }
0x1e: {  	v1 =	vadd.s32 $0x1241, v1;
	v2 =	vld.idx.msk [tilespmem:v2+s2+$0x0], $0xffff  }
0x1f: {  	v0 =	vadd.s32 $0x1241, v0;
	v15 =	vld.idx.msk [tilespmem:v15+s2+$0x0], $0xffff  }
0x20: {  	v19 =	vadd.s32 $0x1201, v6;
	v16 =	vld.idx.msk [tilespmem:v16+s2+$0x0], $0xffff  }
0x21: {  	v20 =	vadd.s32 $0x1201, v4;
	v4 =	vadd.s32 $0x1241, v4;
	v17 =	vld.idx.msk [tilespmem:v17+s2+$0x0], $0xffff  }
0x22: {  	v21 =	vadd.s32 $0x1240, v6;
	v18 =	vld.idx.msk [tilespmem:v18+s2+$0x0], $0xffff;
	v3 =	vmul.f32 v3, v10  }
0x23: {  	v6 =	vadd.s32 $0x1200, v6;
	v1 =	vld.idx.msk [tilespmem:v1+s2+$0x0], $0xffff;
	v5 =	vmul.f32 v5, v10;
	v7 =	vmul.f32 v7, v10  }
0x24: {  	v0 =	vld.idx.msk [tilespmem:v0+s2+$0x0], $0xffff;
	v9 =	vmul.f32 v9, v8;
	v14 =	vmul.f32 v14, v8  }
0x25: {  	v19 =	vld.idx.msk [tilespmem:v19+s2+$0x0], $0xffff;
	v12 =	vmul.f32 v12, v10;
	v2 =	vmul.f32 v2, v8  }
0x26: {  	v4 =	vld.idx.msk [tilespmem:v4+s2+$0x0], $0xffff;
	v13 =	vmul.f32 v13, v8;
	v15 =	vmul.f32 v15, v10  }
0x27: {  	v20 =	vld.idx.msk [tilespmem:v20+s2+$0x0], $0xffff;
	v16 =	vmul.f32 v16, v8;
	v11 =	vmul.f32 v11, v10  }
0x28: {  	v6 =	vld.idx.msk [tilespmem:v6+s2+$0x0], $0xffff;
	v18 =	vmul.f32 v18, v8;
	v57 =	vmul.f32 v1, v8;
	v5 =	vadd.f32 v9, v5  }
0x29: {  	v9 =	vmul.f32 v17, v10;
	v17 =	vld.idx.msk [tilespmem:v21+s2+$0x0], $0xffff;
	v12 =	vadd.f32 v2, v12;
	v2 =	vmul.f32 v0, v8  }
0x2a: {  	v1 =	vld [tilespmem:$0x1290];
	v14 =	vadd.f32 v14, v15;
	v15 =	vmul.f32 v19, v10;
	v7 =	vadd.f32 v57, v7  }
0x2b: {  	v4 =	vmul.f32 v4, v8;
	v0 =	vld [tilespmem:$0x1280];
	v9 =	vadd.f32 v18, v9;
	v19 =	vadd.f32 v2, v3  }
0x2c: {  	v11 =	vadd.f32 v13, v11;
	v18 =	vmul.f32 v20, v10;
	v2 =	vld [tilespmem:$0x12A0];
	v13 =	vadd.f32 v16, v15  }
0x2d: {  	v6 =	vmul.f32 v6, v10;
	v3 =	vld [tilespmem:$0x12B0];
	v5 =	vsub.f32 v9, v5;
	v7 =	vsub.f32 v19, v7  }
0x2e: {  	v14 =	vsub.f32 v9, v14;
	v4 =	vadd.f32 v4, v18;
	v8 =	vmul.f32 v17, v8  }
0x2f: {  	v10 =	vsub.f32 v19, v11;
	v5 =	vmul.f32 v5, v5;
	v7 =	vmul.f32 v7, v7  }
0x30: {  	v12 =	vsub.f32 v9, v12;
	v11 =	vmul.f32 v14, v14;
	v6 =	vadd.f32 v8, v6  }
0x31: {  	v8 =	vsub.f32 v19, v13;
	v13 =	vmul.f32 v5, v0;
	v14 =	vmul.f32 v7, v1  }
0x32: {  	v4 =	vsub.f32 v19, v4;
	v5 =	vmul.f32 v5, v2;
	v7 =	vmul.f32 v7, v3  }
0x33: {  	v60 =	vmul.f32 v11, v0;
	v11 =	vmul.f32 v11, v2;
	v6 =	vsub.f32 v9, v6  }
0x34: {  	v9 =	vmul.f32 v10, v10;
	v8 =	vmul.f32 v8, v8;
	v10 =	vadd.f32 v14, v13  }
0x35: {  	v5 =	vadd.f32 v7, v5;
	v7 =	vmul.f32 v12, v12;
	v12 =	vmul.f32 v4, v4  }
0x36: {  	v6 =	vmul.f32 v6, v6;
	v13 =	vmul.f32 v8, v1;
	v10 =	vadd.f32 $9.999999960e-13, v10  }
0x37: {  	v14 =	vadd.f32 $9.999999960e-13, v5;
	v5 =	vmul.f32 v8, v3;
	v18 =	vmul.f32 v7, v0  }
0x38: {  	v4 =	vmul.f32 v6, v2;
	v6 =	vmul.f32 v6, v0;
	v8 =	vshra.s32 v10, $0x1  }
0x39: {  	v15 =	vmul.f32 $5.000000000e-01, v10;
	v16 =	vshra.s32 v14, $0x1;
	v17 =	vmul.f32 $5.000000000e-01, v14  }
0x3a: {  	v8 =	vsub.s32 $0x5F3759DF, v8;
	v4 =	vadd.f32 v5, v4;
	v16 =	vsub.s32 $0x5F3759DF, v16  }
0x3b: {  	v6 =	vadd.f32 v13, v6;
	v5 =	vmul.f32 v8, v15;
	v15 =	vmul.f32 v9, v3  }
0x3c: {  	v9 =	vmul.f32 v9, v1;
	v17 =	vmul.f32 v16, v17  }
0x3d: {  	v7 =	vmul.f32 v7, v2;
	v4 =	vadd.f32 $9.999999960e-13, v4;
	v6 =	vadd.f32 $9.999999960e-13, v6  }
0x3e: {  	v5 =	vmul.f32 v8, v5;
	v9 =	vadd.f32 v9, v18;
	v17 =	vmul.f32 v16, v17  }
0x3f: {  	v7 =	vadd.f32 v15, v7;
	v18 =	vshra.s32 v4, $0x1;
	v58 =	vmul.f32 $5.000000000e-01, v4  }
0x40: {  	v19 =	vsub.f32 $1.500000000e+00, v5;
	v59 =	vadd.f32 $9.999999960e-13, v9;
	v5 =	vsub.s32 $0x5F3759DF, v18  }
0x41: {  	v22 =	vmul.f32 $5.000000000e-01, v6;
	v9 =	vsub.f32 $1.500000000e+00, v17;
	v15 =	vmul.f32 v5, v58  }
0x42: {  	v8 =	vmul.f32 v8, v19;
	v17 =	vshra.s32 v59, $0x1;
	v18 =	vmul.f32 $5.000000000e-01, v59  }
0x43: {  	v19 =	vadd.f32 $9.999999960e-13, v7;
	v7 =	vmul.f32 v12, v3;
	v17 =	vsub.s32 $0x5F3759DF, v17  }
0x44: {  	v12 =	vmul.f32 v12, v1;
	v13 =	vmul.f32 v17, v18  }
0x45: {  	v16 =	vmul.f32 v16, v9;
	v18 =	vshra.s32 v19, $0x1;
	v8 =	vmul.f32 v8, v10  }
0x46: {  	v10 =	vadd.f32 v12, v60;
	v11 =	vadd.f32 v7, v11;
	v9 =	vmul.f32 v17, v13  }
0x47: {  	v14 =	vmul.f32 v16, v14;
	v18 =	vsub.s32 $0x5F3759DF, v18;
	v13 =	vmul.f32 $5.000000000e-01, v19  }
0x48: {  	v7 =	vmul.f32 $-1.000000000e+01, v8;
	v12 =	vsub.f32 $1.500000000e+00, v9;
	v9 =	vadd.f32 $9.999999960e-13, v10  }
0x49: {  	v8 =	vadd.f32 $9.999999960e-13, v11;
	v10 =	vshra.s32 v6, $0x1;
	v11 =	vmul.f32 v18, v13  }
0x4a: {  	v12 =	vmul.f32 v17, v12;
	v13 =	vshra.s32 v9, $0x1;
	v17 =	vmul.f32 $5.000000000e-01, v9  }
0x4b: {  	v61 =	vshra.s32 v8, $0x1;
	v23 =	vsub.s32 $0x5F3759DF, v13;
	v13 =	vmul.f32 $5.000000000e-01, v8  }
0x4c: {  	v20 =	vsub.s32 $0x5F3759DF, v61;
	v24 =	vmul.f32 v18, v11;
	v17 =	vmul.f32 v23, v17  }
0x4d: {  	v11 =	vsub.s32 $0x5F3759DF, v10;
	v10 =	vmul.f32 v5, v15;
	v13 =	vmul.f32 v20, v13  }
0x4e: {  	v15 =	vmul.f32 v11, v22;
	v16 =	vsub.f32 $1.500000000e+00, v24;
	v17 =	vmul.f32 v23, v17  }
0x4f: {  	v12 =	vmul.f32 v12, v59;
	v62 =	vmul.f32 v20, v13  }
0x50: {  	v15 =	vmul.f32 v11, v15;
	v18 =	vmul.f32 v18, v16;
	v17 =	vsub.f32 $1.500000000e+00, v17  }
0x51: {  	v16 =	vsub.f32 $1.500000000e+00, v10;
	v10 =	vmul.f32 $-1.000000000e+01, v12;
	v63 =	vsub.f32 $1.500000000e+00, v62  }
0x52: {  	v13 =	vmul.f32 $-1.000000000e+01, v14;
	v14 =	vmul.f32 v23, v17  }
0x53: {  	s12 =	simm.s32 $0x40;
	v17 =	vsub.f32 $1.500000000e+00, v15;
	v15 =	vmul.f32 v18, v19;
	v12 =	vmul.f32 v20, v63  }
.LBB2_2:
0x54: {  	p0 =	sne.s32 s12, $0x7C0;
	v5 =	vmul.f32 v5, v16;
	v13 =	vmul.f32 $1.442695020e+00, v13;
	s13 =	smov.u32 s12;
	s12 =	sadd.s32 $0x40, s12  }
0x55: {  	v9 =	vmul.f32 v14, v9;
	v11 =	vmul.f32 v11, v17  }
0x56: {  	v14 =	vmul.f32 $-1.000000000e+01, v15;
	(erf) = vpow2.f32 v13  }
0x57: {  	v4 =	vmul.f32 v5, v4;
	v5 =	vmul.f32 $-1.000000000e+01, v9  }
0x58: {  	v6 =	vmul.f32 v11, v6;
	v9 =	vmul.f32 $1.442695020e+00, v14  }
0x59: {  	v7 =	vmul.f32 $1.442695020e+00, v7;
	v4 =	vmul.f32 $-1.000000000e+01, v4  }
0x5a: {  	v8 =	vmul.f32 v12, v8;
	(erf) = vpow2.f32 v9  }
0x5b: {  	v6 =	vmul.f32 $-1.000000000e+01, v6;
	v4 =	vmul.f32 $1.442695020e+00, v4;
	v9 =	vld [tilespmem:s11+$0x1000]  }
0x5c: {  	v10 =	vmul.f32 $1.442695020e+00, v10;
	v8 =	vmul.f32 $-1.000000000e+01, v8  }
0x5d: {  	v11 =	vmul.f32 $1.442695020e+00, v6;
	(erf) = vpow2.f32 v4  }
0x5e: {  	v4 =	vmul.f32 $1.442695020e+00, v5;
	(erf) = vpow2.f32 v7  }
0x5f: {  	v5 =	vmul.f32 $1.442695020e+00, v8;
	(erf) = vpow2.f32 v11;
	v6 =	vpop (erf)  }
0x60: {  	v6 =	vmul.f32 v6, v9;
	(erf) = vpow2.f32 v4  }
0x61: {  	(erf) = vpow2.f32 v5  }
0x62: {  	(erf) = vpow2.f32 v10  }
0x63: {  	v4 =	vpop (erf)  }
0x64: {  	v5 =	vld [tilespmem:s11+$0xE00];
	_ =	sdelay $0x1  }
0x65: {  	v7 =	vpop (erf)  }
0x66: {  	v7 =	vmul.f32 v7, v9;
	v8 =	vpop (erf)  }
0x67: {  	v10 =	vpop (erf)  }
0x68: {  	v10 =	vmul.f32 v10, v5;
	v11 =	vpop (erf)  }
0x69: {  	v8 =	vmul.f32 v8, v5;
	v12 =	vpop (erf)  }
0x6a: {  	v7 =	vadd.f32 v7, v10;
	v10 =	vmul.f32 v12, v9;
	v12 =	vpop (erf)  }
0x6b: {  	v4 =	vmul.f32 v4, v9;
	v6 =	vadd.f32 v6, v8;
	v8 =	vmul.f32 v12, v5;
	_ =	sdelay $0x1  }
0x6c: {  	v5 =	vmul.f32 v11, v5;
	v4 =	vadd.f32 v4, v8;
	v8 =	vadd.f32 v6, v7;
	_ =	sdelay $0x1  }
0x6d: {  	v5 =	vadd.f32 v10, v5;
	v8 =	vadd.f32 v4, v8;
	_ =	sdelay $0x1  }
0x6e: {  	v8 =	vadd.f32 v5, v8;
	_ =	sdelay $0x1  }
0x6f: {  	(erf) = vrcp.f32 v8;
	_ =	sdelay $0x1  }
0x70: {  	s13 =	sshra.s32 s13, $0x2  }
0x71: {  	v8 =	vld [tilespmem:s13+$0x400]  }
0x72: {  	v9 =	vld [tilespmem:s13+$0x0]  }
0x73: {  	v10 =	vld [tilespmem:s13+$0x200]  }
0x74: {  	v11 =	vld [tilespmem:s13+$0x600]  }
0x75: {  	v12 =	vld [tilespmem:s13+$0x800]  }
0x76: {  	v8 =	vshll.u32 v8, $0x1  }
0x77: {  	v9 =	vshll.u32 v9, $0x1;
	v13 =	vadd.s32 $0x1200, v8;
	v14 =	vadd.s32 $0x1201, v8;
	v15 =	vpop (erf)  }
0x78: {  	v16 =	vadd.s32 $0x1200, v9;
	v17 =	vadd.s32 $0x1201, v9;
	v7 =	vmul.f32 v15, v7  }
0x79: {  	v18 =	vadd.s32 $0x1240, v9;
	v9 =	vadd.s32 $0x1241, v9;
	v6 =	vmul.f32 v15, v6  }
0x7a: {  	v10 =	vshll.u32 v10, $0x1;
	v4 =	vmul.f32 v15, v4;
	v5 =	vmul.f32 v15, v5;
	v19 =	vld [tilespmem:s13+$0xC00];
	[tilespmem:s11+$0x1400] =	vst v7  }
0x7b: {  	v20 =	vadd.s32 $0x1240, v8;
	v15 =	vadd.s32 $0x1201, v10;
	v11 =	vshll.u32 v11, $0x1;
	v7 =	vld [tilespmem:s13+$0xA00];
	[tilespmem:s11+$0x1600] =	vst v6  }
0x7c: {  	v21 =	vadd.s32 $0x1201, v11;
	v22 =	vadd.s32 $0x1240, v11;
	v6 =	vadd.s32 $0x1200, v11;
	[tilespmem:s11+$0x1A00] =	vst v5  }
0x7d: {  	v5 =	vadd.s32 $0x1241, v8;
	v8 =	vadd.s32 $0x1241, v11;
	v11 =	vshll.u32 v12, $0x1;
	[tilespmem:s11+$0x1800] =	vst v4;
	s11 =	smov.u32 s13  }
0x7e: {  	v12 =	vadd.s32 $0x1200, v11;
	v23 =	vadd.s32 $0x1240, v11;
	v4 =	vld.idx.msk [tilespmem:v17+s2+$0x0], $0xffff;
	v17 =	vadd.s32 $0x1201, v11  }
0x7f: {  	v24 =	vadd.s32 $0x1240, v10;
	v11 =	vadd.s32 $0x1241, v11;
	v13 =	vld.idx.msk [tilespmem:v13+s2+$0x0], $0xffff  }
0x80: {  	v14 =	vld.idx.msk [tilespmem:v14+s2+$0x0], $0xffff  }
0x81: {  	v20 =	vld.idx.msk [tilespmem:v20+s2+$0x0], $0xffff  }
0x82: {  	v21 =	vld.idx.msk [tilespmem:v21+s2+$0x0], $0xffff  }
0x83: {  	v6 =	vld.idx.msk [tilespmem:v6+s2+$0x0], $0xffff  }
0x84: {  	v17 =	vld.idx.msk [tilespmem:v17+s2+$0x0], $0xffff  }
0x85: {  	v4 =	vmul.f32 v4, v7;
	v13 =	vmul.f32 v13, v7;
	v8 =	vld.idx.msk [tilespmem:v8+s2+$0x0], $0xffff  }
0x86: {  	v25 =	vadd.s32 $0x1241, v10;
	v14 =	vmul.f32 v14, v7;
	v11 =	vld.idx.msk [tilespmem:v11+s2+$0x0], $0xffff  }
0x87: {  	v20 =	vmul.f32 v20, v19;
	v23 =	vld.idx.msk [tilespmem:v23+s2+$0x0], $0xffff;
	_ =	sdelay $0x1  }
0x88: {  	v13 =	vadd.f32 v20, v13;
	v20 =	vld.idx.msk [tilespmem:v22+s2+$0x0], $0xffff  }
0x89: {  	v17 =	vmul.f32 v17, v7;
	v12 =	vld.idx.msk [tilespmem:v12+s2+$0x0], $0xffff  }
0x8a: {  	v22 =	vld.idx.msk [tilespmem:v25+s2+$0x0], $0xffff  }
0x8b: {  	v16 =	vld.idx.msk [tilespmem:v16+s2+$0x0], $0xffff  }
0x8c: {  	v23 =	vmul.f32 v23, v19;
	v18 =	vld.idx.msk [tilespmem:v18+s2+$0x0], $0xffff  }
0x8d: {  	v10 =	vadd.s32 $0x1200, v10;
	v6 =	vmul.f32 v6, v7;
	v15 =	vld.idx.msk [tilespmem:v15+s2+$0x0], $0xffff  }
0x8e: {  	v20 =	vmul.f32 v20, v19;
	v9 =	vld.idx.msk [tilespmem:v9+s2+$0x0], $0xffff  }
0x8f: {  	v8 =	vmul.f32 v8, v19;
	v12 =	vmul.f32 v12, v7;
	v5 =	vld.idx.msk [tilespmem:v5+s2+$0x0], $0xffff  }
0x90: {  	v22 =	vmul.f32 v22, v19;
	v6 =	vadd.f32 v20, v6;
	v20 =	vmul.f32 v21, v7  }
0x91: {  	v16 =	vmul.f32 v16, v7;
	v21 =	vld.idx.msk [tilespmem:v24+s2+$0x0], $0xffff  }
0x92: {  	v11 =	vmul.f32 v11, v19;
	v12 =	vadd.f32 v23, v12;
	v10 =	vld.idx.msk [tilespmem:v10+s2+$0x0], $0xffff  }
0x93: {  	v18 =	vmul.f32 v18, v19;
	v15 =	vmul.f32 v15, v7  }
0x94: {  	v8 =	vadd.f32 v8, v20;
	v9 =	vmul.f32 v9, v19  }
0x95: {  	v16 =	vadd.f32 v18, v16;
	v5 =	vmul.f32 v5, v19  }
0x96: {  	v4 =	vadd.f32 v9, v4;
	v9 =	vadd.f32 v22, v15  }
0x97: {  	v12 =	vsub.f32 v16, v12;
	v15 =	vmul.f32 v21, v19;
	v5 =	vadd.f32 v5, v14  }
0x98: {  	v7 =	vmul.f32 v10, v7;
	v10 =	vadd.f32 v11, v17;
	v11 =	vsub.f32 v16, v13  }
0x99: {  	v8 =	vsub.f32 v4, v8;
	v12 =	vmul.f32 v12, v12;
	v5 =	vsub.f32 v4, v5  }
0x9a: {  	v6 =	vsub.f32 v16, v6;
	v11 =	vmul.f32 v11, v11;
	v10 =	vsub.f32 v4, v10  }
0x9b: {  	v7 =	vadd.f32 v15, v7;
	v8 =	vmul.f32 v8, v8;
	v5 =	vmul.f32 v5, v5  }
0x9c: {  	v4 =	vsub.f32 v4, v9;
	v9 =	vmul.f32 v11, v0;
	v11 =	vmul.f32 v11, v2  }
0x9d: {  	v7 =	vsub.f32 v16, v7;
	v13 =	vmul.f32 v5, v1;
	v5 =	vmul.f32 v5, v3  }
0x9e: {  	v6 =	vmul.f32 v6, v6;
	v10 =	vmul.f32 v10, v10  }
0x9f: {  	v4 =	vmul.f32 v4, v4;
	v9 =	vadd.f32 v13, v9;
	v5 =	vadd.f32 v5, v11  }
0xa0: {  	v7 =	vmul.f32 v7, v7  }
0xa1: {  	v11 =	vmul.f32 v4, v1;
	v9 =	vadd.f32 $9.999999960e-13, v9;
	v13 =	vadd.f32 $9.999999960e-13, v5  }
0xa2: {  	v4 =	vmul.f32 v4, v3;
	v5 =	vmul.f32 v7, v2  }
0xa3: {  	v14 =	vshra.s32 v9, $0x1;
	v15 =	vmul.f32 $5.000000000e-01, v9;
	v16 =	vshra.s32 v13, $0x1  }
0xa4: {  	v17 =	vmul.f32 $5.000000000e-01, v13;
	v14 =	vsub.s32 $0x5F3759DF, v14;
	v16 =	vsub.s32 $0x5F3759DF, v16  }
0xa5: {  	v4 =	vadd.f32 v4, v5;
	v5 =	vmul.f32 v14, v15;
	v15 =	vmul.f32 v8, v3  }
0xa6: {  	v18 =	vmul.f32 v6, v0;
	v8 =	vmul.f32 v8, v1  }
0xa7: {  	v4 =	vadd.f32 $9.999999960e-13, v4;
	v17 =	vmul.f32 v16, v17;
	v5 =	vmul.f32 v14, v5  }
0xa8: {  	v6 =	vmul.f32 v6, v2;
	v7 =	vmul.f32 v7, v0;
	v8 =	vadd.f32 v8, v18  }
0xa9: {  	v18 =	vshra.s32 v4, $0x1;
	v17 =	vmul.f32 v16, v17;
	v19 =	vsub.f32 $1.500000000e+00, v5  }
0xaa: {  	v20 =	vmul.f32 $5.000000000e-01, v4;
	v6 =	vadd.f32 v15, v6;
	v21 =	vadd.f32 $9.999999960e-13, v8  }
0xab: {  	v5 =	vsub.s32 $0x5F3759DF, v18;
	v8 =	vmul.f32 v14, v19;
	v14 =	vsub.f32 $1.500000000e+00, v17  }
0xac: {  	v15 =	vmul.f32 v5, v20;
	v17 =	vshra.s32 v21, $0x1;
	v18 =	vmul.f32 $5.000000000e-01, v21  }
0xad: {  	v19 =	vadd.f32 $9.999999960e-13, v6;
	v6 =	vmul.f32 v10, v3;
	v17 =	vsub.s32 $0x5F3759DF, v17  }
0xae: {  	v7 =	vadd.f32 v11, v7;
	v10 =	vmul.f32 v10, v1;
	v11 =	vmul.f32 v17, v18  }
0xaf: {  	v20 =	vmul.f32 v12, v0;
	v12 =	vmul.f32 v12, v2;
	v18 =	vshra.s32 v19, $0x1  }
0xb0: {  	v14 =	vmul.f32 v16, v14;
	v16 =	vsub.s32 $0x5F3759DF, v18;
	v11 =	vmul.f32 v17, v11  }
0xb1: {  	v8 =	vmul.f32 v8, v9;
	v9 =	vadd.f32 v10, v20;
	v10 =	vadd.f32 v6, v12  }
0xb2: {  	v6 =	vadd.f32 $9.999999960e-13, v7;
	v12 =	vmul.f32 $5.000000000e-01, v19;
	v11 =	vsub.f32 $1.500000000e+00, v11  }
0xb3: {  	v7 =	vmul.f32 $-1.000000000e+01, v8;
	v9 =	vadd.f32 $9.999999960e-13, v9;
	v8 =	vadd.f32 $9.999999960e-13, v10  }
0xb4: {  	v10 =	vshra.s32 v6, $0x1;
	v17 =	vmul.f32 v17, v11;
	v11 =	vmul.f32 v16, v12  }
0xb5: {  	v18 =	vmul.f32 $5.000000000e-01, v9;
	v20 =	vshra.s32 v8, $0x1;
	v12 =	vshra.s32 v9, $0x1  }
0xb6: {  	v22 =	vmul.f32 $5.000000000e-01, v6;
	v23 =	vmul.f32 $5.000000000e-01, v8;
	v12 =	vsub.s32 $0x5F3759DF, v12  }
0xb7: {  	v20 =	vsub.s32 $0x5F3759DF, v20;
	v24 =	vmul.f32 v16, v11;
	v18 =	vmul.f32 v12, v18  }
0xb8: {  	v11 =	vsub.s32 $0x5F3759DF, v10;
	v10 =	vmul.f32 v5, v15;
	v15 =	vmul.f32 v20, v23  }
0xb9: {  	v22 =	vmul.f32 v11, v22;
	v18 =	vmul.f32 v12, v18  }
.Ltmp0:
0xba: {  	v13 =	vmul.f32 v14, v13;
	v14 =	vsub.f32 $1.500000000e+00, v24;
	v15 =	vmul.f32 v20, v15;
	(pc) =	sbr.rel @p0 .LBB2_2-.Ltmp0, $4  }
0xbb: {  	v17 =	vmul.f32 v17, v21;
	v22 =	vmul.f32 v11, v22;
	v18 =	vsub.f32 $1.500000000e+00, v18  }
0xbc: {  	v13 =	vmul.f32 $-1.000000000e+01, v13;
	v21 =	vmul.f32 v16, v14;
	v23 =	vsub.f32 $1.500000000e+00, v15  }
0xbd: {  	v16 =	vsub.f32 $1.500000000e+00, v10;
	v10 =	vmul.f32 $-1.000000000e+01, v17;
	v14 =	vmul.f32 v12, v18  }
0xbe: {  	v17 =	vsub.f32 $1.500000000e+00, v22;
	v15 =	vmul.f32 v21, v19;
	v12 =	vmul.f32 v20, v23  }
0xbf: {  	v0 =	vmul.f32 v5, v16  }
0xc0: {  	v1 =	vmul.f32 $1.442695020e+00, v13;
	v3 =	vmul.f32 v14, v9  }
0xc1: {  	v45 =	vmul.f32 $1.442695020e+00, v7;
	v2 =	vmul.f32 v11, v17  }
0xc2: {  	v42 =	vmul.f32 $-1.000000000e+01, v15;
	v0 =	vmul.f32 v0, v4  }
0xc3: {  	v46 =	vmul.f32 v12, v8;
	(erf) = vpow2.f32 v1  }
0xc4: {  	v2 =	vmul.f32 v2, v6;
	v0 =	vmul.f32 $-1.000000000e+01, v0  }
0xc5: {  	v43 =	vmul.f32 $-1.000000000e+01, v3;
	v44 =	vmul.f32 $1.442695020e+00, v42  }
0xc6: {  	v2 =	vmul.f32 $-1.000000000e+01, v2;
	v0 =	vmul.f32 $1.442695020e+00, v0  }
0xc7: {  	v47 =	vmul.f32 $-1.000000000e+01, v46;
	(erf) = vpow2.f32 v44  }
0xc8: {  	v2 =	vmul.f32 $1.442695020e+00, v2;
	(erf) = vpow2.f32 v0  }
0xc9: {  	v48 =	vmul.f32 $1.442695020e+00, v43;
	(erf) = vpow2.f32 v45  }
0xca: {  	v49 =	vmul.f32 $1.442695020e+00, v47;
	(erf) = vpow2.f32 v2  }
0xcb: {  	v50 =	vmul.f32 $1.442695020e+00, v10;
	(erf) = vpow2.f32 v48  }
0xcc: {  	(erf) = vpow2.f32 v49  }
0xcd: {  	(erf) = vpow2.f32 v50;
	_ =	sdelay $0x1  }
0xce: {  	v51 =	vld [tilespmem:s11+$0x1000];
	v52 =	vpop (erf)  }
0xcf: {  	v53 =	vld [tilespmem:s11+$0xE00];
	v54 =	vpop (erf)  }
0xd0: {  	v55 =	vpop (erf)  }
0xd1: {  	v56 =	vpop (erf)  }
0xd2: {  	v57 =	vpop (erf)  }
0xd3: {  	v1 =	vmul.f32 v52, v51;
	v4 =	vmul.f32 v55, v51;
	v58 =	vpop (erf)  }
0xd4: {  	v5 =	vmul.f32 v56, v53;
	v6 =	vmul.f32 v57, v53;
	v59 =	vpop (erf)  }
0xd5: {  	v3 =	vmul.f32 v54, v51;
	v60 =	vpop (erf)  }
0xd6: {  	v1 =	vadd.f32 v1, v5;
	v4 =	vadd.f32 v4, v6;
	v61 =	vmul.f32 v60, v53  }
0xd7: {  	v2 =	vmul.f32 v58, v53  }
0xd8: {  	v0 =	vmul.f32 v59, v51;
	v62 =	vadd.f32 v1, v4;
	v3 =	vadd.f32 v3, v61;
	_ =	sdelay $0x1  }
0xd9: {  	v0 =	vadd.f32 v0, v2;
	v63 =	vadd.f32 v3, v62;
	_ =	sdelay $0x1  }
0xda: {  	v2 =	vadd.f32 v0, v63;
	_ =	sdelay $0x1  }
0xdb: {  	(erf) = vrcp.f32 v2;
	_ =	sdelay $0x8  }
0xdc: {  	v2 =	vpop (erf)  }
0xdd: {  	v4 =	vmul.f32 v2, v4  }
0xde: {  	v1 =	vmul.f32 v2, v1  }
0xdf: {  	v0 =	vmul.f32 v2, v0;
	[tilespmem:s11+$0x1400] =	vst v4  }
0xe0: {  	s10 =	sadd.s32 $0x1, s10;
	v2 =	vmul.f32 v2, v3;
	[tilespmem:s11+$0x1600] =	vst v1  }
0xe1: {  	p0 =	sne.s32 s10, s5;
	[tilespmem:s11+$0x1A00] =	vst v0  }
.Ltmp1:
0xe2: {  	[tilespmem:s11+$0x1800] =	vst v2;
	(pc) =	sbr.rel @p0 .LBB2_1-.Ltmp1, $4  }
0xe3: {  	[hbm4b:s4+s6] =	stream.strided.scatter [tilespmem:s9], [sflag:$0x1], $0x800, s7, s6, $0x38;
	[tilespmem:$0x1C00] =	vst v63  }
0xe4: {  	_ =	swait.ge [sflag:s8], $0x800  }
0xe5: {  	[sflag:s8] =	ssyncset.done $0x0  }
0xe6: {  	[sflag:s8] =	ssyncadd.s32 $0xFFFFF800  }
0xe7: {  	_ =	sfence.sel $0x180000  }
0xe8: {  	[bflag:$0x0] =	sbarrier.arrive $0xFFFF  }
0xe9: {  	p0 =	sne.s32 s1, $0x0;
	_ =	strace $0x90000047  }
0xea: {  	s0 =	sadd.s32 @!p0 $0x100000, s0;
	[bflag:$0x2] =	sbarrier.arrive $0xFFFF  }
0xeb: {  	[sflag:s0] =	ssyncadd.tile.s32 @!p0 $0x1;
	_ =	shalt  }
.Lfunc_end2:
_tile_overlayer_lowered:
.L_overlay_start_2:
0xec: {  	(tag) =	ssettag $0x2  }
0xed: {  	s0 =	rddreg [dreg:$0x0];
	s2 =	stileid.u32  }
0xee: {  	s1 =	rddreg [dreg:$0x1];
	p0 =	sne.s32 s2, $0x0  }
0xef: {  	s3 =	rddreg [dreg:$0x2];
	[bflag:$0x3] =	sbarrier.arrive $0xFFFF;
	s2 =	simm.s32 @!p0 $0x1C01  }
0xf0: {  	[timem:s3], [sflag:s2] =	dma.local @!p0 [hbm:s0], s1  }
0xf1: {  	s0 =	simm.s32 @!p0 $0x1  }
0xf2: {  	_ =	swait.ge @!p0 [sflag:s0], s1  }
0xf3: {  	s1 =	ssub.s32 @!p0 $0x0, s1;
	[sflag:s0] =	ssyncset.done @!p0 $0x0  }
0xf4: {  	[sflag:s0] =	ssyncadd.s32 @!p0 s1  }
0xf5: {  	[bflag:$0x3] =	sbarrier.arrive $0xFFFF  }
0xf6: {  	_ =	shalt  }

</sc_bundles>
